<compile_context>
chip_gen: v7x
topology: tpu7x:2x2x1
jax: 0.10.2.dev20260603
libtpu: 0.0.44.dev20260713+nightly
codegen_flags: <defaults>
</compile_context>

<pallas_src>
import jax
import jax.numpy as jnp
from jax import lax
from jax.experimental import pallas as pl
from jax.experimental.pallas import tpu as pltpu
from jax.experimental.pallas import tpu_sc as plsc

B, K, H, W = 1024, 3, 8, 8
HW = H * W
D = 128
NC, NS, L = 2, 16, 16
NW = NC * NS
BPW = B // NW
KHW = K * HW
NBUF = 8
DG0 = 4
DADD = 2


QUAD = 2


def _sc_body(inp_hbm, table_hbm, out_hbm, idx_v, idxT_v, accR, *sems):
    gsems = sems[:NBUF]
    osems = sems[NBUF:]
    accs = [accR.at[pl.ds(p * HW, HW)] for p in range(NBUF)]
    wid = lax.axis_index("s") * NC + lax.axis_index("c")
    b0 = wid * BPW

    pltpu.sync_copy(inp_hbm.at[:, pl.ds((wid // 4) * 128, 128)], idx_v)

    lanes = lax.iota(jnp.int32, L)
    sub = (wid % 4) * BPW

    @plsc.parallel_loop(0, KHW, 1, unroll=2)
    def _(r):
        rv = jnp.full((L,), r, dtype=jnp.int32)
        plsc.store_scatter(idxT_v, [lanes, rv], idx_v[r, pl.ds(sub, L)])
        plsc.store_scatter(idxT_v, [L + lanes, rv],
                           idx_v[r, pl.ds(sub + L, L)])

    def fire_g0(j, p):
        pltpu.async_copy(table_hbm.at[idxT_v.at[j, pl.ds(0, HW)]],
                         accs[p], gsems[p])

    def fire_adds(j, p):
        for k in range(1, K):
            pltpu.async_copy(table_hbm.at[idxT_v.at[j, pl.ds(k * HW, HW)]],
                             accs[p], gsems[p], add=True)

    def wait_g(p, n):
        for _ in range(n):
            pltpu.make_async_copy(table_hbm.at[idxT_v.at[0, pl.ds(0, HW)]],
                                  accs[p], gsems[p]).wait()

    def fire_quad(j, p):
        pltpu.async_copy(accR.at[pl.ds((p - QUAD + 1) * HW, QUAD * HW)],
                         out_hbm.at[pl.ds((b0 + j - QUAD + 1) * HW,
                                          QUAD * HW)],
                         osems[(p - QUAD + 1) // QUAD])

    def wait_quad(q):
        pltpu.make_async_copy(accR.at[pl.ds(0, QUAD * HW)],
                              out_hbm.at[pl.ds(0, QUAD * HW)],
                              osems[q]).wait()

    for j in range(DG0):
        fire_g0(j, j)
    for j in range(DADD):
        wait_g(j, 1)
        fire_adds(j, j)

    def pipe(t, c2):
        for p in range(NBUF):
            j = t * NBUF + p
            jj = j + DG0
            pj = (p + DG0) % NBUF

            @pl.when(jj < BPW)
            def _():
                @pl.when(jj >= NBUF)
                def _():
                    if pj % QUAD == 0:
                        wait_quad(pj // QUAD)
                fire_g0(jj, pj)

            ja = j + DADD
            pa = (p + DADD) % NBUF

            @pl.when(ja < BPW)
            def _():
                wait_g(pa, 1)
                fire_adds(ja, pa)

            wait_g(p, 2)
            if p % QUAD == QUAD - 1:
                fire_quad(j, p)
        return c2

    lax.fori_loop(0, BPW // NBUF, pipe, 0)
    for q in range(NBUF // QUAD):
        wait_quad(q)


def kernel(inputs, table):
    inp2 = inputs.transpose(1, 2, 3, 0).reshape(KHW, B)
    mesh = plsc.VectorSubcoreMesh(
        core_axis_name="c", subcore_axis_name="s",
        num_cores=NC, num_subcores=NS,
    )
    scratch = (
        [pltpu.VMEM((KHW, 128), jnp.int32),
         pltpu.VMEM((BPW, 256), jnp.int32)]
        + [pltpu.VMEM((NBUF * HW, D), jnp.float32)]
        + [pltpu.SemaphoreType.DMA for _ in range(NBUF + NBUF // QUAD)]
    )
    out = pl.kernel(
        _sc_body,
        out_type=jax.ShapeDtypeStruct((B * HW, D), jnp.float32),
        mesh=mesh,
        scratch_types=scratch,
        compiler_params=pltpu.CompilerParams(needs_layout_passes=False),
    )(inp2, table)
    return out.reshape(B, H, W, D).transpose(0, 3, 1, 2)

# --- scband reference (transcript-rebuilt; emitter-appended) ---
"""Pipeline reference for scband-image-bowembedding-pretrained-8315056685523 (READ-ONLY COPY).

The authoritative reference and input builder live on the scoring server;
editing this copy changes nothing except your own understanding.
"""

import jax, jax.numpy as jnp
import numpy as np

VOCAB = 100000
EMBED_DIM = 128
B, K, H, W = 1024, 3, 8, 8


def setup_inputs(seed: int = 0) -> dict:
    key = jax.random.key(seed)
    k1, k2 = jax.random.split(key)
    inputs = jax.random.randint(k1, (B, K, H, W), 0, VOCAB, dtype=jnp.int32)
    table = jax.random.normal(k2, (VOCAB, EMBED_DIM), dtype=jnp.float32) * 0.02
    return {"inputs": inputs, "table": table}


def reference(inputs, table):
    # embedding lookup: [B, K, H, W] -> [B, K, H, W, D]
    emb = jnp.take(table, inputs, axis=0)
    # bag-of-words sum over dim 1: [B, H, W, D]
    summed = emb.sum(axis=1)
    # permute(0, 3, 1, 2): [B, D, H, W]
    return jnp.transpose(summed, (0, 3, 1, 2))

if __name__ == "__main__":
    import jax
    _d = setup_inputs()
    print(jax.jit(kernel)(*tuple(_d.values())))

</pallas_src>

<mosaic_0001>
#map = affine_map<(d0, d1) -> (0, 0)>
module attributes {stable_mosaic.version = 14 : i64} {
  func.func @_sc_body(%arg0: i32, %arg1: i32, %arg2: memref<192x1024xi32, #tpu.memory_space<hbm>>, %arg3: memref<100000x128xf32, #tpu.memory_space<hbm>>, %arg4: memref<65536x128xf32, #tpu.memory_space<hbm>>, %arg5: memref<192x128xi32, #tpu.memory_space<vmem>>, %arg6: memref<32x256xi32, #tpu.memory_space<vmem>>, %arg7: memref<512x128xf32, #tpu.memory_space<vmem>>, %arg8: memref<!tpu.dma_semaphore, #tpu.memory_space<semaphore_mem>>, %arg9: memref<!tpu.dma_semaphore, #tpu.memory_space<semaphore_mem>>, %arg10: memref<!tpu.dma_semaphore, #tpu.memory_space<semaphore_mem>>, %arg11: memref<!tpu.dma_semaphore, #tpu.memory_space<semaphore_mem>>, %arg12: memref<!tpu.dma_semaphore, #tpu.memory_space<semaphore_mem>>, %arg13: memref<!tpu.dma_semaphore, #tpu.memory_space<semaphore_mem>>, %arg14: memref<!tpu.dma_semaphore, #tpu.memory_space<semaphore_mem>>, %arg15: memref<!tpu.dma_semaphore, #tpu.memory_space<semaphore_mem>>, %arg16: memref<!tpu.dma_semaphore, #tpu.memory_space<semaphore_mem>>, %arg17: memref<!tpu.dma_semaphore, #tpu.memory_space<semaphore_mem>>, %arg18: memref<!tpu.dma_semaphore, #tpu.memory_space<semaphore_mem>>, %arg19: memref<!tpu.dma_semaphore, #tpu.memory_space<semaphore_mem>>) attributes {dimension_semantics = [#tpu.dimension_semantics<core_parallel>, #tpu.dimension_semantics<subcore_parallel>], iteration_bounds = array<i64: 2, 16>, scalar_prefetch = 0 : i64, scratch_operands = 15 : i64, tpu.core_type = #tpu.core_type<sc_vector_subcore>, window_params = [{transform_indices = #map}, {transform_indices = #map}, {transform_indices = #map}]} {
    %mul3A = arith.constant 2 : i32
    %mul3A_0 = arith.muli %arg1, %mul3A : i32
    %add3A = arith.addi %mul3A_0, %arg0 : i32
    %mul3A_1 = arith.constant 32 : i32
    %mul3A_2 = arith.muli %add3A, %mul3A_1 : i32
    %jit3A = arith.constant 4 : i32
    %div3A = arith.divsi %add3A, %jit3A : i32
    %sign3A = arith.constant 0 : i32
    %sign3A_3 = arith.cmpi sgt, %add3A, %sign3A : i32
    %sign3A_4 = arith.extui %sign3A_3 : i1 to i32
    %sign3A_5 = arith.constant 0 : i32
    %sign3A_6 = arith.cmpi slt, %add3A, %sign3A_5 : i32
    %sign3A_7 = arith.extui %sign3A_6 : i1 to i32
    %sign3A_8 = arith.subi %sign3A_4, %sign3A_7 : i32
    %sign3A_9 = arith.constant 0 : i32
    %sign3A_10 = arith.cmpi sgt, %jit3A, %sign3A_9 : i32
    %sign3A_11 = arith.extui %sign3A_10 : i1 to i32
    %sign3A_12 = arith.constant 0 : i32
    %sign3A_13 = arith.cmpi slt, %jit3A, %sign3A_12 : i32
    %sign3A_14 = arith.extui %sign3A_13 : i1 to i32
    %sign3A_15 = arith.subi %sign3A_11, %sign3A_14 : i32
    %ne3A = arith.cmpi ne, %sign3A_8, %sign3A_15 : i32
    %rem3A = arith.remsi %add3A, %jit3A : i32
    %ne3A_16 = arith.constant 0 : i32
    %ne3A_17 = arith.cmpi ne, %rem3A, %ne3A_16 : i32
    %and3A = arith.andi %ne3A, %ne3A_17 : i1
    %sub3A = arith.constant 1 : i32
    %sub3A_18 = arith.subi %div3A, %sub3A : i32
    %select_n3A = arith.select %and3A, %sub3A_18, %div3A : i32
    %mul3A_19 = arith.constant 128 : i32
    %mul3A_20 = arith.muli %select_n3A, %mul3A_19 : i32
    "tpu.region"() ({
      %run_scoped3A = tpu.sem_alloc : memref<!tpu.dma_semaphore, #tpu.memory_space<semaphore_mem>>
      %dma_start3A_190 = arith.constant 0 : i32
      %dma_start3A_191 = tpu.memref_slice %arg2[%dma_start3A_190, %mul3A_20] : memref<192x1024xi32, #tpu.memory_space<hbm>> -> memref<192x128xi32, #tpu.memory_space<hbm>>
      %dma_start3A_192 = arith.constant 0 : i32
      %dma_start3A_193 = tpu.memref_slice %arg2[%dma_start3A_192, %mul3A_20] : memref<192x1024xi32, #tpu.memory_space<hbm>> -> memref<192x128xi32, #tpu.memory_space<hbm>>
      tpu.enqueue_dma source(%dma_start3A_193 : memref<192x128xi32, #tpu.memory_space<hbm>>) target(%arg5 : memref<192x128xi32, #tpu.memory_space<vmem>>) target_semaphore(%run_scoped3A : memref<!tpu.dma_semaphore, #tpu.memory_space<semaphore_mem>>)
      %dma_wait3A_194 = arith.constant 0 : i32
      %dma_wait3A_195 = tpu.memref_slice %arg2[%dma_wait3A_194, %mul3A_20] : memref<192x1024xi32, #tpu.memory_space<hbm>> -> memref<192x128xi32, #tpu.memory_space<hbm>>
      %dma_wait3A_196 = arith.constant 0 : i32
      %dma_wait3A_197 = tpu.memref_slice %arg2[%dma_wait3A_196, %mul3A_20] : memref<192x1024xi32, #tpu.memory_space<hbm>> -> memref<192x128xi32, #tpu.memory_space<hbm>>
      tpu.wait_dma2 semaphore(%run_scoped3A : memref<!tpu.dma_semaphore, #tpu.memory_space<semaphore_mem>>) src(%dma_wait3A_197 : memref<192x128xi32, #tpu.memory_space<hbm>>) dst(%arg5 : memref<192x128xi32, #tpu.memory_space<vmem>>)
      tpu.yield
    }) : () -> ()
    %iota3A = tpu.iota {dimensions = array<i32: 0>} : vector<16xi32>
    %jit3A_21 = arith.constant 4 : i32
    %eq3A = arith.constant 0 : i32
    %eq3A_22 = arith.cmpi eq, %jit3A_21, %eq3A : i32
    %jit3A_23 = arith.constant 1 : i32
    %select_n3A_24 = arith.select %eq3A_22, %jit3A_23, %jit3A_21 : i32
    %rem3A_25 = arith.remsi %add3A, %select_n3A_24 : i32
    %ne3A_26 = arith.constant 0 : i32
    %ne3A_27 = arith.cmpi ne, %rem3A_25, %ne3A_26 : i32
    %lt3A = arith.constant 0 : i32
    %lt3A_28 = arith.cmpi slt, %rem3A_25, %lt3A : i32
    %lt3A_29 = arith.constant 0 : i32
    %lt3A_30 = arith.cmpi slt, %select_n3A_24, %lt3A_29 : i32
    %ne3A_31 = arith.xori %lt3A_28, %lt3A_30 : i1
    %and3A_32 = arith.andi %ne3A_31, %ne3A_27 : i1
    %add3A_33 = arith.addi %rem3A_25, %select_n3A_24 : i32
    %select_n3A_34 = arith.select %and3A_32, %add3A_33, %rem3A_25 : i32
    %mul3A_35 = arith.constant 32 : i32
    %mul3A_36 = arith.muli %select_n3A_34, %mul3A_35 : i32
    %parallel_loop3A = arith.constant 0 : i32
    %parallel_loop3A_37 = arith.constant 192 : i32
    %parallel_loop3A_38 = arith.constant 1 : i32
    scf.for %parallel_loop3A_190 = %parallel_loop3A to %parallel_loop3A_37 step %parallel_loop3A_38  : i32 {
      %parallel_loop3A_191 = vector.broadcast %parallel_loop3A_190 : i32 to vector<16xi32>
      %parallel_loop3A_192 = arith.index_cast %parallel_loop3A_190 : i32 to index
      %parallel_loop3A_193 = arith.index_cast %mul3A_36 : i32 to index
      %parallel_loop3A_194 = tpu.vector_load %arg5[%parallel_loop3A_192, %parallel_loop3A_193] {strides = array<i32>} : memref<192x128xi32, #tpu.memory_space<vmem>>, vector<16xi32>,
      tpu.vector_store_idx %arg6[%iota3A, %parallel_loop3A_191], %parallel_loop3A_194 : memref<32x256xi32, #tpu.memory_space<vmem>>[vector<16xi32>, vector<16xi32>], vector<16xi32>,
      %parallel_loop3A_195 = arith.constant 16 : i32
      %parallel_loop3A_196 = vector.broadcast %parallel_loop3A_195 : i32 to vector<16xi32>
      %parallel_loop3A_197 = arith.addi %parallel_loop3A_196, %iota3A : vector<16xi32>
      %parallel_loop3A_198 = arith.constant 16 : i32
      %parallel_loop3A_199 = arith.addi %mul3A_36, %parallel_loop3A_198 : i32
      %parallel_loop3A_200 = arith.index_cast %parallel_loop3A_190 : i32 to index
      %parallel_loop3A_201 = arith.index_cast %parallel_loop3A_199 : i32 to index
      %parallel_loop3A_202 = tpu.vector_load %arg5[%parallel_loop3A_200, %parallel_loop3A_201] {strides = array<i32>} : memref<192x128xi32, #tpu.memory_space<vmem>>, vector<16xi32>,
      tpu.vector_store_idx %arg6[%parallel_loop3A_197, %parallel_loop3A_191], %parallel_loop3A_202 : memref<32x256xi32, #tpu.memory_space<vmem>>[vector<16xi32>, vector<16xi32>], vector<16xi32>,
    } {sc.loop_unroll_factor = 2 : i64, sc.parallel_access}
    %dma_start3A = arith.constant 0 : i32
    %dma_start3A_39 = arith.constant 0 : i32
    %dma_start3A_40 = arith.constant 0 : i32
    %dma_start3A_41 = tpu.memref_slice %arg7[%dma_start3A_39, %dma_start3A_40] : memref<512x128xf32, #tpu.memory_space<vmem>> -> memref<64x128xf32, #tpu.memory_space<vmem>>
    %dma_start3A_42 = arith.constant 0 : i32
    %dma_start3A_43 = tpu.memref_slice %arg6[%dma_start3A, %dma_start3A_42] : memref<32x256xi32, #tpu.memory_space<vmem>> -> memref<1x64xi32, #tpu.memory_space<vmem>>
    %dma_start3A_44 = tpu.memref_squeeze %dma_start3A_43 : memref<1x64xi32, #tpu.memory_space<vmem>> -> memref<64xi32, #tpu.memory_space<vmem>>
    %dma_start3A_45 = arith.constant 0 : i32
    %dma_start3A_46 = arith.constant 0 : i32
    %dma_start3A_47 = tpu.memref_slice %arg3[%dma_start3A_45, %dma_start3A_46] : memref<100000x128xf32, #tpu.memory_space<hbm>> -> memref<100000x128xf32, #tpu.memory_space<hbm>>
    tpu.enqueue_indirect_dma source(%dma_start3A_47 : memref<100000x128xf32, #tpu.memory_space<hbm>>) target(%dma_start3A_41 : memref<64x128xf32, #tpu.memory_space<vmem>>) offsets(%dma_start3A_44 : memref<64xi32, #tpu.memory_space<vmem>>) semaphore(%arg8 : memref<!tpu.dma_semaphore, #tpu.memory_space<semaphore_mem>>)
    %dma_start3A_48 = arith.constant 1 : i32
    %dma_start3A_49 = arith.constant 64 : i32
    %dma_start3A_50 = arith.constant 0 : i32
    %dma_start3A_51 = tpu.memref_slice %arg7[%dma_start3A_49, %dma_start3A_50] : memref<512x128xf32, #tpu.memory_space<vmem>> -> memref<64x128xf32, #tpu.memory_space<vmem>>
    %dma_start3A_52 = arith.constant 0 : i32
    %dma_start3A_53 = tpu.memref_slice %arg6[%dma_start3A_48, %dma_start3A_52] : memref<32x256xi32, #tpu.memory_space<vmem>> -> memref<1x64xi32, #tpu.memory_space<vmem>>
    %dma_start3A_54 = tpu.memref_squeeze %dma_start3A_53 : memref<1x64xi32, #tpu.memory_space<vmem>> -> memref<64xi32, #tpu.memory_space<vmem>>
    %dma_start3A_55 = arith.constant 0 : i32
    %dma_start3A_56 = arith.constant 0 : i32
    %dma_start3A_57 = tpu.memref_slice %arg3[%dma_start3A_55, %dma_start3A_56] : memref<100000x128xf32, #tpu.memory_space<hbm>> -> memref<100000x128xf32, #tpu.memory_space<hbm>>
    tpu.enqueue_indirect_dma source(%dma_start3A_57 : memref<100000x128xf32, #tpu.memory_space<hbm>>) target(%dma_start3A_51 : memref<64x128xf32, #tpu.memory_space<vmem>>) offsets(%dma_start3A_54 : memref<64xi32, #tpu.memory_space<vmem>>) semaphore(%arg9 : memref<!tpu.dma_semaphore, #tpu.memory_space<semaphore_mem>>)
    %dma_start3A_58 = arith.constant 2 : i32
    %dma_start3A_59 = arith.constant 128 : i32
    %dma_start3A_60 = arith.constant 0 : i32
    %dma_start3A_61 = tpu.memref_slice %arg7[%dma_start3A_59, %dma_start3A_60] : memref<512x128xf32, #tpu.memory_space<vmem>> -> memref<64x128xf32, #tpu.memory_space<vmem>>
    %dma_start3A_62 = arith.constant 0 : i32
    %dma_start3A_63 = tpu.memref_slice %arg6[%dma_start3A_58, %dma_start3A_62] : memref<32x256xi32, #tpu.memory_space<vmem>> -> memref<1x64xi32, #tpu.memory_space<vmem>>
    %dma_start3A_64 = tpu.memref_squeeze %dma_start3A_63 : memref<1x64xi32, #tpu.memory_space<vmem>> -> memref<64xi32, #tpu.memory_space<vmem>>
    %dma_start3A_65 = arith.constant 0 : i32
    %dma_start3A_66 = arith.constant 0 : i32
    %dma_start3A_67 = tpu.memref_slice %arg3[%dma_start3A_65, %dma_start3A_66] : memref<100000x128xf32, #tpu.memory_space<hbm>> -> memref<100000x128xf32, #tpu.memory_space<hbm>>
    tpu.enqueue_indirect_dma source(%dma_start3A_67 : memref<100000x128xf32, #tpu.memory_space<hbm>>) target(%dma_start3A_61 : memref<64x128xf32, #tpu.memory_space<vmem>>) offsets(%dma_start3A_64 : memref<64xi32, #tpu.memory_space<vmem>>) semaphore(%arg10 : memref<!tpu.dma_semaphore, #tpu.memory_space<semaphore_mem>>)
    %dma_start3A_68 = arith.constant 3 : i32
    %dma_start3A_69 = arith.constant 192 : i32
    %dma_start3A_70 = arith.constant 0 : i32
    %dma_start3A_71 = tpu.memref_slice %arg7[%dma_start3A_69, %dma_start3A_70] : memref<512x128xf32, #tpu.memory_space<vmem>> -> memref<64x128xf32, #tpu.memory_space<vmem>>
    %dma_start3A_72 = arith.constant 0 : i32
    %dma_start3A_73 = tpu.memref_slice %arg6[%dma_start3A_68, %dma_start3A_72] : memref<32x256xi32, #tpu.memory_space<vmem>> -> memref<1x64xi32, #tpu.memory_space<vmem>>
    %dma_start3A_74 = tpu.memref_squeeze %dma_start3A_73 : memref<1x64xi32, #tpu.memory_space<vmem>> -> memref<64xi32, #tpu.memory_space<vmem>>
    %dma_start3A_75 = arith.constant 0 : i32
    %dma_start3A_76 = arith.constant 0 : i32
    %dma_start3A_77 = tpu.memref_slice %arg3[%dma_start3A_75, %dma_start3A_76] : memref<100000x128xf32, #tpu.memory_space<hbm>> -> memref<100000x128xf32, #tpu.memory_space<hbm>>
    tpu.enqueue_indirect_dma source(%dma_start3A_77 : memref<100000x128xf32, #tpu.memory_space<hbm>>) target(%dma_start3A_71 : memref<64x128xf32, #tpu.memory_space<vmem>>) offsets(%dma_start3A_74 : memref<64xi32, #tpu.memory_space<vmem>>) semaphore(%arg11 : memref<!tpu.dma_semaphore, #tpu.memory_space<semaphore_mem>>)
    %dma_wait3A = arith.constant 0 : i32
    %dma_wait3A_78 = arith.constant 0 : i32
    %dma_wait3A_79 = arith.constant 0 : i32
    %dma_wait3A_80 = tpu.memref_slice %arg7[%dma_wait3A_78, %dma_wait3A_79] : memref<512x128xf32, #tpu.memory_space<vmem>> -> memref<64x128xf32, #tpu.memory_space<vmem>>
    %dma_wait3A_81 = arith.constant 0 : i32
    %dma_wait3A_82 = tpu.memref_slice %arg6[%dma_wait3A, %dma_wait3A_81] : memref<32x256xi32, #tpu.memory_space<vmem>> -> memref<1x64xi32, #tpu.memory_space<vmem>>
    %dma_wait3A_83 = tpu.memref_squeeze %dma_wait3A_82 : memref<1x64xi32, #tpu.memory_space<vmem>> -> memref<64xi32, #tpu.memory_space<vmem>>
    %dma_wait3A_84 = arith.constant 0 : i32
    %dma_wait3A_85 = arith.constant 0 : i32
    %dma_wait3A_86 = tpu.memref_slice %arg3[%dma_wait3A_84, %dma_wait3A_85] : memref<100000x128xf32, #tpu.memory_space<hbm>> -> memref<100000x128xf32, #tpu.memory_space<hbm>>
    tpu.wait_indirect_dma semaphore(%arg8 : memref<!tpu.dma_semaphore, #tpu.memory_space<semaphore_mem>>) src(%dma_wait3A_86 : memref<100000x128xf32, #tpu.memory_space<hbm>>) dst(%dma_wait3A_80 : memref<64x128xf32, #tpu.memory_space<vmem>>)
    %dma_start3A_87 = arith.constant 0 : i32
    %dma_start3A_88 = arith.constant 0 : i32
    %dma_start3A_89 = arith.constant 0 : i32
    %dma_start3A_90 = tpu.memref_slice %arg7[%dma_start3A_88, %dma_start3A_89] : memref<512x128xf32, #tpu.memory_space<vmem>> -> memref<64x128xf32, #tpu.memory_space<vmem>>
    %dma_start3A_91 = arith.constant 64 : i32
    %dma_start3A_92 = tpu.memref_slice %arg6[%dma_start3A_87, %dma_start3A_91] : memref<32x256xi32, #tpu.memory_space<vmem>> -> memref<1x64xi32, #tpu.memory_space<vmem>>
    %dma_start3A_93 = tpu.memref_squeeze %dma_start3A_92 : memref<1x64xi32, #tpu.memory_space<vmem>> -> memref<64xi32, #tpu.memory_space<vmem>>
    %dma_start3A_94 = arith.constant 0 : i32
    %dma_start3A_95 = arith.constant 0 : i32
    %dma_start3A_96 = tpu.memref_slice %arg3[%dma_start3A_94, %dma_start3A_95] : memref<100000x128xf32, #tpu.memory_space<hbm>> -> memref<100000x128xf32, #tpu.memory_space<hbm>>
    tpu.enqueue_indirect_dma source(%dma_start3A_96 : memref<100000x128xf32, #tpu.memory_space<hbm>>) target(%dma_start3A_90 : memref<64x128xf32, #tpu.memory_space<vmem>>) offsets(%dma_start3A_93 : memref<64xi32, #tpu.memory_space<vmem>>) semaphore(%arg8 : memref<!tpu.dma_semaphore, #tpu.memory_space<semaphore_mem>>) {add = true}
    %dma_start3A_97 = arith.constant 0 : i32
    %dma_start3A_98 = arith.constant 0 : i32
    %dma_start3A_99 = arith.constant 0 : i32
    %dma_start3A_100 = tpu.memref_slice %arg7[%dma_start3A_98, %dma_start3A_99] : memref<512x128xf32, #tpu.memory_space<vmem>> -> memref<64x128xf32, #tpu.memory_space<vmem>>
    %dma_start3A_101 = arith.constant 128 : i32
    %dma_start3A_102 = tpu.memref_slice %arg6[%dma_start3A_97, %dma_start3A_101] : memref<32x256xi32, #tpu.memory_space<vmem>> -> memref<1x64xi32, #tpu.memory_space<vmem>>
    %dma_start3A_103 = tpu.memref_squeeze %dma_start3A_102 : memref<1x64xi32, #tpu.memory_space<vmem>> -> memref<64xi32, #tpu.memory_space<vmem>>
    %dma_start3A_104 = arith.constant 0 : i32
    %dma_start3A_105 = arith.constant 0 : i32
    %dma_start3A_106 = tpu.memref_slice %arg3[%dma_start3A_104, %dma_start3A_105] : memref<100000x128xf32, #tpu.memory_space<hbm>> -> memref<100000x128xf32, #tpu.memory_space<hbm>>
    tpu.enqueue_indirect_dma source(%dma_start3A_106 : memref<100000x128xf32, #tpu.memory_space<hbm>>) target(%dma_start3A_100 : memref<64x128xf32, #tpu.memory_space<vmem>>) offsets(%dma_start3A_103 : memref<64xi32, #tpu.memory_space<vmem>>) semaphore(%arg8 : memref<!tpu.dma_semaphore, #tpu.memory_space<semaphore_mem>>) {add = true}
    %dma_wait3A_107 = arith.constant 0 : i32
    %dma_wait3A_108 = arith.constant 64 : i32
    %dma_wait3A_109 = arith.constant 0 : i32
    %dma_wait3A_110 = tpu.memref_slice %arg7[%dma_wait3A_108, %dma_wait3A_109] : memref<512x128xf32, #tpu.memory_space<vmem>> -> memref<64x128xf32, #tpu.memory_space<vmem>>
    %dma_wait3A_111 = arith.constant 0 : i32
    %dma_wait3A_112 = tpu.memref_slice %arg6[%dma_wait3A_107, %dma_wait3A_111] : memref<32x256xi32, #tpu.memory_space<vmem>> -> memref<1x64xi32, #tpu.memory_space<vmem>>
    %dma_wait3A_113 = tpu.memref_squeeze %dma_wait3A_112 : memref<1x64xi32, #tpu.memory_space<vmem>> -> memref<64xi32, #tpu.memory_space<vmem>>
    %dma_wait3A_114 = arith.constant 0 : i32
    %dma_wait3A_115 = arith.constant 0 : i32
    %dma_wait3A_116 = tpu.memref_slice %arg3[%dma_wait3A_114, %dma_wait3A_115] : memref<100000x128xf32, #tpu.memory_space<hbm>> -> memref<100000x128xf32, #tpu.memory_space<hbm>>
    tpu.wait_indirect_dma semaphore(%arg9 : memref<!tpu.dma_semaphore, #tpu.memory_space<semaphore_mem>>) src(%dma_wait3A_116 : memref<100000x128xf32, #tpu.memory_space<hbm>>) dst(%dma_wait3A_110 : memref<64x128xf32, #tpu.memory_space<vmem>>)
    %dma_start3A_117 = arith.constant 1 : i32
    %dma_start3A_118 = arith.constant 64 : i32
    %dma_start3A_119 = arith.constant 0 : i32
    %dma_start3A_120 = tpu.memref_slice %arg7[%dma_start3A_118, %dma_start3A_119] : memref<512x128xf32, #tpu.memory_space<vmem>> -> memref<64x128xf32, #tpu.memory_space<vmem>>
    %dma_start3A_121 = arith.constant 64 : i32
    %dma_start3A_122 = tpu.memref_slice %arg6[%dma_start3A_117, %dma_start3A_121] : memref<32x256xi32, #tpu.memory_space<vmem>> -> memref<1x64xi32, #tpu.memory_space<vmem>>
    %dma_start3A_123 = tpu.memref_squeeze %dma_start3A_122 : memref<1x64xi32, #tpu.memory_space<vmem>> -> memref<64xi32, #tpu.memory_space<vmem>>
    %dma_start3A_124 = arith.constant 0 : i32
    %dma_start3A_125 = arith.constant 0 : i32
    %dma_start3A_126 = tpu.memref_slice %arg3[%dma_start3A_124, %dma_start3A_125] : memref<100000x128xf32, #tpu.memory_space<hbm>> -> memref<100000x128xf32, #tpu.memory_space<hbm>>
    tpu.enqueue_indirect_dma source(%dma_start3A_126 : memref<100000x128xf32, #tpu.memory_space<hbm>>) target(%dma_start3A_120 : memref<64x128xf32, #tpu.memory_space<vmem>>) offsets(%dma_start3A_123 : memref<64xi32, #tpu.memory_space<vmem>>) semaphore(%arg9 : memref<!tpu.dma_semaphore, #tpu.memory_space<semaphore_mem>>) {add = true}
    %dma_start3A_127 = arith.constant 1 : i32
    %dma_start3A_128 = arith.constant 64 : i32
    %dma_start3A_129 = arith.constant 0 : i32
    %dma_start3A_130 = tpu.memref_slice %arg7[%dma_start3A_128, %dma_start3A_129] : memref<512x128xf32, #tpu.memory_space<vmem>> -> memref<64x128xf32, #tpu.memory_space<vmem>>
    %dma_start3A_131 = arith.constant 128 : i32
    %dma_start3A_132 = tpu.memref_slice %arg6[%dma_start3A_127, %dma_start3A_131] : memref<32x256xi32, #tpu.memory_space<vmem>> -> memref<1x64xi32, #tpu.memory_space<vmem>>
    %dma_start3A_133 = tpu.memref_squeeze %dma_start3A_132 : memref<1x64xi32, #tpu.memory_space<vmem>> -> memref<64xi32, #tpu.memory_space<vmem>>
    %dma_start3A_134 = arith.constant 0 : i32
    %dma_start3A_135 = arith.constant 0 : i32
    %dma_start3A_136 = tpu.memref_slice %arg3[%dma_start3A_134, %dma_start3A_135] : memref<100000x128xf32, #tpu.memory_space<hbm>> -> memref<100000x128xf32, #tpu.memory_space<hbm>>
    tpu.enqueue_indirect_dma source(%dma_start3A_136 : memref<100000x128xf32, #tpu.memory_space<hbm>>) target(%dma_start3A_130 : memref<64x128xf32, #tpu.memory_space<vmem>>) offsets(%dma_start3A_133 : memref<64xi32, #tpu.memory_space<vmem>>) semaphore(%arg9 : memref<!tpu.dma_semaphore, #tpu.memory_space<semaphore_mem>>) {add = true}
    %scan3A = arith.constant 0 : i32
    %scan3A_137 = arith.constant 0 : i32
    %scan3A_138 = arith.constant 4 : i32
    %scan3A_139 = arith.addi %scan3A_137, %scan3A_138 : i32
    %scan3A_140 = arith.constant 1 : i32
    scf.for %scan3A_190 = %scan3A_137 to %scan3A_139 step %scan3A_140  : i32 {
      %mul3A_191 = arith.constant 8 : i32
      %mul3A_192 = arith.muli %scan3A_190, %mul3A_191 : i32
      %add3A_193 = arith.constant 0 : i32
      %add3A_194 = arith.addi %mul3A_192, %add3A_193 : i32
      %add3A_195 = arith.constant 4 : i32
      %add3A_196 = arith.addi %add3A_194, %add3A_195 : i32
      %lt3A_197 = arith.constant 32 : i32
      %lt3A_198 = arith.cmpi slt, %add3A_196, %lt3A_197 : i32
      %convert_element_type3A = arith.extui %lt3A_198 : i1 to i32
      %cond3A = arith.constant 0 : i32
      %cond3A_199 = arith.cmpi ne, %convert_element_type3A, %cond3A : i32
      scf.if %cond3A_199 {
        %ge3A = arith.constant 8 : i32
        %ge3A_561 = arith.cmpi sge, %add3A_196, %ge3A : i32
        %convert_element_type3A_562 = arith.extui %ge3A_561 : i1 to i32
        %cond3A_563 = arith.constant 0 : i32
        %cond3A_564 = arith.cmpi ne, %convert_element_type3A_562, %cond3A_563 : i32
        scf.if %cond3A_564 {
          %dma_wait3A_574 = arith.constant 0 : i32
          %dma_wait3A_575 = arith.constant 0 : i32
          %dma_wait3A_576 = tpu.memref_slice %arg7[%dma_wait3A_574, %dma_wait3A_575] : memref<512x128xf32, #tpu.memory_space<vmem>> -> memref<128x128xf32, #tpu.memory_space<vmem>>
          %dma_wait3A_577 = arith.constant 0 : i32
          %dma_wait3A_578 = arith.constant 0 : i32
          %dma_wait3A_579 = tpu.memref_slice %arg4[%dma_wait3A_577, %dma_wait3A_578] : memref<65536x128xf32, #tpu.memory_space<hbm>> -> memref<128x128xf32, #tpu.memory_space<hbm>>
          %dma_wait3A_580 = arith.constant 0 : i32
          %dma_wait3A_581 = arith.constant 0 : i32
          %dma_wait3A_582 = tpu.memref_slice %arg4[%dma_wait3A_580, %dma_wait3A_581] : memref<65536x128xf32, #tpu.memory_space<hbm>> -> memref<128x128xf32, #tpu.memory_space<hbm>>
          %dma_wait3A_583 = arith.constant 0 : i32
          %dma_wait3A_584 = arith.constant 0 : i32
          %dma_wait3A_585 = tpu.memref_slice %arg7[%dma_wait3A_583, %dma_wait3A_584] : memref<512x128xf32, #tpu.memory_space<vmem>> -> memref<128x128xf32, #tpu.memory_space<vmem>>
          tpu.wait_dma2 semaphore(%arg18 : memref<!tpu.dma_semaphore, #tpu.memory_space<semaphore_mem>>) src(%dma_wait3A_585 : memref<128x128xf32, #tpu.memory_space<vmem>>) dst(%dma_wait3A_582 : memref<128x128xf32, #tpu.memory_space<hbm>>)
        } else {
        }
        %dma_start3A_565 = arith.constant 256 : i32
        %dma_start3A_566 = arith.constant 0 : i32
        %dma_start3A_567 = tpu.memref_slice %arg7[%dma_start3A_565, %dma_start3A_566] : memref<512x128xf32, #tpu.memory_space<vmem>> -> memref<64x128xf32, #tpu.memory_space<vmem>>
        %dma_start3A_568 = arith.constant 0 : i32
        %dma_start3A_569 = tpu.memref_slice %arg6[%add3A_196, %dma_start3A_568] : memref<32x256xi32, #tpu.memory_space<vmem>> -> memref<1x64xi32, #tpu.memory_space<vmem>>
        %dma_start3A_570 = tpu.memref_squeeze %dma_start3A_569 : memref<1x64xi32, #tpu.memory_space<vmem>> -> memref<64xi32, #tpu.memory_space<vmem>>
        %dma_start3A_571 = arith.constant 0 : i32
        %dma_start3A_572 = arith.constant 0 : i32
        %dma_start3A_573 = tpu.memref_slice %arg3[%dma_start3A_571, %dma_start3A_572] : memref<100000x128xf32, #tpu.memory_space<hbm>> -> memref<100000x128xf32, #tpu.memory_space<hbm>>
        tpu.enqueue_indirect_dma source(%dma_start3A_573 : memref<100000x128xf32, #tpu.memory_space<hbm>>) target(%dma_start3A_567 : memref<64x128xf32, #tpu.memory_space<vmem>>) offsets(%dma_start3A_570 : memref<64xi32, #tpu.memory_space<vmem>>) semaphore(%arg12 : memref<!tpu.dma_semaphore, #tpu.memory_space<semaphore_mem>>)
      } else {
      }
      %add3A_200 = arith.constant 2 : i32
      %add3A_201 = arith.addi %add3A_194, %add3A_200 : i32
      %lt3A_202 = arith.constant 32 : i32
      %lt3A_203 = arith.cmpi slt, %add3A_201, %lt3A_202 : i32
      %convert_element_type3A_204 = arith.extui %lt3A_203 : i1 to i32
      %cond3A_205 = arith.constant 0 : i32
      %cond3A_206 = arith.cmpi ne, %convert_element_type3A_204, %cond3A_205 : i32
      scf.if %cond3A_206 {
        %dma_wait3A_561 = arith.constant 0 : i32
        %dma_wait3A_562 = arith.constant 128 : i32
        %dma_wait3A_563 = arith.constant 0 : i32
        %dma_wait3A_564 = tpu.memref_slice %arg7[%dma_wait3A_562, %dma_wait3A_563] : memref<512x128xf32, #tpu.memory_space<vmem>> -> memref<64x128xf32, #tpu.memory_space<vmem>>
        %dma_wait3A_565 = arith.constant 0 : i32
        %dma_wait3A_566 = tpu.memref_slice %arg6[%dma_wait3A_561, %dma_wait3A_565] : memref<32x256xi32, #tpu.memory_space<vmem>> -> memref<1x64xi32, #tpu.memory_space<vmem>>
        %dma_wait3A_567 = tpu.memref_squeeze %dma_wait3A_566 : memref<1x64xi32, #tpu.memory_space<vmem>> -> memref<64xi32, #tpu.memory_space<vmem>>
        %dma_wait3A_568 = arith.constant 0 : i32
        %dma_wait3A_569 = arith.constant 0 : i32
        %dma_wait3A_570 = tpu.memref_slice %arg3[%dma_wait3A_568, %dma_wait3A_569] : memref<100000x128xf32, #tpu.memory_space<hbm>> -> memref<100000x128xf32, #tpu.memory_space<hbm>>
        tpu.wait_indirect_dma semaphore(%arg10 : memref<!tpu.dma_semaphore, #tpu.memory_space<semaphore_mem>>) src(%dma_wait3A_570 : memref<100000x128xf32, #tpu.memory_space<hbm>>) dst(%dma_wait3A_564 : memref<64x128xf32, #tpu.memory_space<vmem>>)
        %dma_start3A_571 = arith.constant 128 : i32
        %dma_start3A_572 = arith.constant 0 : i32
        %dma_start3A_573 = tpu.memref_slice %arg7[%dma_start3A_571, %dma_start3A_572] : memref<512x128xf32, #tpu.memory_space<vmem>> -> memref<64x128xf32, #tpu.memory_space<vmem>>
        %dma_start3A_574 = arith.constant 64 : i32
        %dma_start3A_575 = tpu.memref_slice %arg6[%add3A_201, %dma_start3A_574] : memref<32x256xi32, #tpu.memory_space<vmem>> -> memref<1x64xi32, #tpu.memory_space<vmem>>
        %dma_start3A_576 = tpu.memref_squeeze %dma_start3A_575 : memref<1x64xi32, #tpu.memory_space<vmem>> -> memref<64xi32, #tpu.memory_space<vmem>>
        %dma_start3A_577 = arith.constant 0 : i32
        %dma_start3A_578 = arith.constant 0 : i32
        %dma_start3A_579 = tpu.memref_slice %arg3[%dma_start3A_577, %dma_start3A_578] : memref<100000x128xf32, #tpu.memory_space<hbm>> -> memref<100000x128xf32, #tpu.memory_space<hbm>>
        tpu.enqueue_indirect_dma source(%dma_start3A_579 : memref<100000x128xf32, #tpu.memory_space<hbm>>) target(%dma_start3A_573 : memref<64x128xf32, #tpu.memory_space<vmem>>) offsets(%dma_start3A_576 : memref<64xi32, #tpu.memory_space<vmem>>) semaphore(%arg10 : memref<!tpu.dma_semaphore, #tpu.memory_space<semaphore_mem>>) {add = true}
        %dma_start3A_580 = arith.constant 128 : i32
        %dma_start3A_581 = arith.constant 0 : i32
        %dma_start3A_582 = tpu.memref_slice %arg7[%dma_start3A_580, %dma_start3A_581] : memref<512x128xf32, #tpu.memory_space<vmem>> -> memref<64x128xf32, #tpu.memory_space<vmem>>
        %dma_start3A_583 = arith.constant 128 : i32
        %dma_start3A_584 = tpu.memref_slice %arg6[%add3A_201, %dma_start3A_583] : memref<32x256xi32, #tpu.memory_space<vmem>> -> memref<1x64xi32, #tpu.memory_space<vmem>>
        %dma_start3A_585 = tpu.memref_squeeze %dma_start3A_584 : memref<1x64xi32, #tpu.memory_space<vmem>> -> memref<64xi32, #tpu.memory_space<vmem>>
        %dma_start3A_586 = arith.constant 0 : i32
        %dma_start3A_587 = arith.constant 0 : i32
        %dma_start3A_588 = tpu.memref_slice %arg3[%dma_start3A_586, %dma_start3A_587] : memref<100000x128xf32, #tpu.memory_space<hbm>> -> memref<100000x128xf32, #tpu.memory_space<hbm>>
        tpu.enqueue_indirect_dma source(%dma_start3A_588 : memref<100000x128xf32, #tpu.memory_space<hbm>>) target(%dma_start3A_582 : memref<64x128xf32, #tpu.memory_space<vmem>>) offsets(%dma_start3A_585 : memref<64xi32, #tpu.memory_space<vmem>>) semaphore(%arg10 : memref<!tpu.dma_semaphore, #tpu.memory_space<semaphore_mem>>) {add = true}
      } else {
      }
      %dma_wait3A_207 = arith.constant 0 : i32
      %dma_wait3A_208 = arith.constant 0 : i32
      %dma_wait3A_209 = arith.constant 0 : i32
      %dma_wait3A_210 = tpu.memref_slice %arg7[%dma_wait3A_208, %dma_wait3A_209] : memref<512x128xf32, #tpu.memory_space<vmem>> -> memref<64x128xf32, #tpu.memory_space<vmem>>
      %dma_wait3A_211 = arith.constant 0 : i32
      %dma_wait3A_212 = tpu.memref_slice %arg6[%dma_wait3A_207, %dma_wait3A_211] : memref<32x256xi32, #tpu.memory_space<vmem>> -> memref<1x64xi32, #tpu.memory_space<vmem>>
      %dma_wait3A_213 = tpu.memref_squeeze %dma_wait3A_212 : memref<1x64xi32, #tpu.memory_space<vmem>> -> memref<64xi32, #tpu.memory_space<vmem>>
      %dma_wait3A_214 = arith.constant 0 : i32
      %dma_wait3A_215 = arith.constant 0 : i32
      %dma_wait3A_216 = tpu.memref_slice %arg3[%dma_wait3A_214, %dma_wait3A_215] : memref<100000x128xf32, #tpu.memory_space<hbm>> -> memref<100000x128xf32, #tpu.memory_space<hbm>>
      tpu.wait_indirect_dma semaphore(%arg8 : memref<!tpu.dma_semaphore, #tpu.memory_space<semaphore_mem>>) src(%dma_wait3A_216 : memref<100000x128xf32, #tpu.memory_space<hbm>>) dst(%dma_wait3A_210 : memref<64x128xf32, #tpu.memory_space<vmem>>)
      %dma_wait3A_217 = arith.constant 0 : i32
      %dma_wait3A_218 = arith.constant 0 : i32
      %dma_wait3A_219 = arith.constant 0 : i32
      %dma_wait3A_220 = tpu.memref_slice %arg7[%dma_wait3A_218, %dma_wait3A_219] : memref<512x128xf32, #tpu.memory_space<vmem>> -> memref<64x128xf32, #tpu.memory_space<vmem>>
      %dma_wait3A_221 = arith.constant 0 : i32
      %dma_wait3A_222 = tpu.memref_slice %arg6[%dma_wait3A_217, %dma_wait3A_221] : memref<32x256xi32, #tpu.memory_space<vmem>> -> memref<1x64xi32, #tpu.memory_space<vmem>>
      %dma_wait3A_223 = tpu.memref_squeeze %dma_wait3A_222 : memref<1x64xi32, #tpu.memory_space<vmem>> -> memref<64xi32, #tpu.memory_space<vmem>>
      %dma_wait3A_224 = arith.constant 0 : i32
      %dma_wait3A_225 = arith.constant 0 : i32
      %dma_wait3A_226 = tpu.memref_slice %arg3[%dma_wait3A_224, %dma_wait3A_225] : memref<100000x128xf32, #tpu.memory_space<hbm>> -> memref<100000x128xf32, #tpu.memory_space<hbm>>
      tpu.wait_indirect_dma semaphore(%arg8 : memref<!tpu.dma_semaphore, #tpu.memory_space<semaphore_mem>>) src(%dma_wait3A_226 : memref<100000x128xf32, #tpu.memory_space<hbm>>) dst(%dma_wait3A_220 : memref<64x128xf32, #tpu.memory_space<vmem>>)
      %mul3A_227 = arith.constant 8 : i32
      %mul3A_228 = arith.muli %scan3A_190, %mul3A_227 : i32
      %add3A_229 = arith.constant 1 : i32
      %add3A_230 = arith.addi %mul3A_228, %add3A_229 : i32
      %add3A_231 = arith.constant 4 : i32
      %add3A_232 = arith.addi %add3A_230, %add3A_231 : i32
      %lt3A_233 = arith.constant 32 : i32
      %lt3A_234 = arith.cmpi slt, %add3A_232, %lt3A_233 : i32
      %convert_element_type3A_235 = arith.extui %lt3A_234 : i1 to i32
      %cond3A_236 = arith.constant 0 : i32
      %cond3A_237 = arith.cmpi ne, %convert_element_type3A_235, %cond3A_236 : i32
      scf.if %cond3A_237 {
        %ge3A = arith.constant 8 : i32
        %ge3A_561 = arith.cmpi sge, %add3A_232, %ge3A : i32
        %convert_element_type3A_562 = arith.extui %ge3A_561 : i1 to i32
        %cond3A_563 = arith.constant 0 : i32
        %cond3A_564 = arith.cmpi ne, %convert_element_type3A_562, %cond3A_563 : i32
        scf.if %cond3A_564 {
        } else {
        }
        %dma_start3A_565 = arith.constant 320 : i32
        %dma_start3A_566 = arith.constant 0 : i32
        %dma_start3A_567 = tpu.memref_slice %arg7[%dma_start3A_565, %dma_start3A_566] : memref<512x128xf32, #tpu.memory_space<vmem>> -> memref<64x128xf32, #tpu.memory_space<vmem>>
        %dma_start3A_568 = arith.constant 0 : i32
        %dma_start3A_569 = tpu.memref_slice %arg6[%add3A_232, %dma_start3A_568] : memref<32x256xi32, #tpu.memory_space<vmem>> -> memref<1x64xi32, #tpu.memory_space<vmem>>
        %dma_start3A_570 = tpu.memref_squeeze %dma_start3A_569 : memref<1x64xi32, #tpu.memory_space<vmem>> -> memref<64xi32, #tpu.memory_space<vmem>>
        %dma_start3A_571 = arith.constant 0 : i32
        %dma_start3A_572 = arith.constant 0 : i32
        %dma_start3A_573 = tpu.memref_slice %arg3[%dma_start3A_571, %dma_start3A_572] : memref<100000x128xf32, #tpu.memory_space<hbm>> -> memref<100000x128xf32, #tpu.memory_space<hbm>>
        tpu.enqueue_indirect_dma source(%dma_start3A_573 : memref<100000x128xf32, #tpu.memory_space<hbm>>) target(%dma_start3A_567 : memref<64x128xf32, #tpu.memory_space<vmem>>) offsets(%dma_start3A_570 : memref<64xi32, #tpu.memory_space<vmem>>) semaphore(%arg13 : memref<!tpu.dma_semaphore, #tpu.memory_space<semaphore_mem>>)
      } else {
      }
      %add3A_238 = arith.constant 2 : i32
      %add3A_239 = arith.addi %add3A_230, %add3A_238 : i32
      %lt3A_240 = arith.constant 32 : i32
      %lt3A_241 = arith.cmpi slt, %add3A_239, %lt3A_240 : i32
      %convert_element_type3A_242 = arith.extui %lt3A_241 : i1 to i32
      %cond3A_243 = arith.constant 0 : i32
      %cond3A_244 = arith.cmpi ne, %convert_element_type3A_242, %cond3A_243 : i32
      scf.if %cond3A_244 {
        %dma_wait3A_561 = arith.constant 0 : i32
        %dma_wait3A_562 = arith.constant 192 : i32
        %dma_wait3A_563 = arith.constant 0 : i32
        %dma_wait3A_564 = tpu.memref_slice %arg7[%dma_wait3A_562, %dma_wait3A_563] : memref<512x128xf32, #tpu.memory_space<vmem>> -> memref<64x128xf32, #tpu.memory_space<vmem>>
        %dma_wait3A_565 = arith.constant 0 : i32
        %dma_wait3A_566 = tpu.memref_slice %arg6[%dma_wait3A_561, %dma_wait3A_565] : memref<32x256xi32, #tpu.memory_space<vmem>> -> memref<1x64xi32, #tpu.memory_space<vmem>>
        %dma_wait3A_567 = tpu.memref_squeeze %dma_wait3A_566 : memref<1x64xi32, #tpu.memory_space<vmem>> -> memref<64xi32, #tpu.memory_space<vmem>>
        %dma_wait3A_568 = arith.constant 0 : i32
        %dma_wait3A_569 = arith.constant 0 : i32
        %dma_wait3A_570 = tpu.memref_slice %arg3[%dma_wait3A_568, %dma_wait3A_569] : memref<100000x128xf32, #tpu.memory_space<hbm>> -> memref<100000x128xf32, #tpu.memory_space<hbm>>
        tpu.wait_indirect_dma semaphore(%arg11 : memref<!tpu.dma_semaphore, #tpu.memory_space<semaphore_mem>>) src(%dma_wait3A_570 : memref<100000x128xf32, #tpu.memory_space<hbm>>) dst(%dma_wait3A_564 : memref<64x128xf32, #tpu.memory_space<vmem>>)
        %dma_start3A_571 = arith.constant 192 : i32
        %dma_start3A_572 = arith.constant 0 : i32
        %dma_start3A_573 = tpu.memref_slice %arg7[%dma_start3A_571, %dma_start3A_572] : memref<512x128xf32, #tpu.memory_space<vmem>> -> memref<64x128xf32, #tpu.memory_space<vmem>>
        %dma_start3A_574 = arith.constant 64 : i32
        %dma_start3A_575 = tpu.memref_slice %arg6[%add3A_239, %dma_start3A_574] : memref<32x256xi32, #tpu.memory_space<vmem>> -> memref<1x64xi32, #tpu.memory_space<vmem>>
        %dma_start3A_576 = tpu.memref_squeeze %dma_start3A_575 : memref<1x64xi32, #tpu.memory_space<vmem>> -> memref<64xi32, #tpu.memory_space<vmem>>
        %dma_start3A_577 = arith.constant 0 : i32
        %dma_start3A_578 = arith.constant 0 : i32
        %dma_start3A_579 = tpu.memref_slice %arg3[%dma_start3A_577, %dma_start3A_578] : memref<100000x128xf32, #tpu.memory_space<hbm>> -> memref<100000x128xf32, #tpu.memory_space<hbm>>
        tpu.enqueue_indirect_dma source(%dma_start3A_579 : memref<100000x128xf32, #tpu.memory_space<hbm>>) target(%dma_start3A_573 : memref<64x128xf32, #tpu.memory_space<vmem>>) offsets(%dma_start3A_576 : memref<64xi32, #tpu.memory_space<vmem>>) semaphore(%arg11 : memref<!tpu.dma_semaphore, #tpu.memory_space<semaphore_mem>>) {add = true}
        %dma_start3A_580 = arith.constant 192 : i32
        %dma_start3A_581 = arith.constant 0 : i32
        %dma_start3A_582 = tpu.memref_slice %arg7[%dma_start3A_580, %dma_start3A_581] : memref<512x128xf32, #tpu.memory_space<vmem>> -> memref<64x128xf32, #tpu.memory_space<vmem>>
        %dma_start3A_583 = arith.constant 128 : i32
        %dma_start3A_584 = tpu.memref_slice %arg6[%add3A_239, %dma_start3A_583] : memref<32x256xi32, #tpu.memory_space<vmem>> -> memref<1x64xi32, #tpu.memory_space<vmem>>
        %dma_start3A_585 = tpu.memref_squeeze %dma_start3A_584 : memref<1x64xi32, #tpu.memory_space<vmem>> -> memref<64xi32, #tpu.memory_space<vmem>>
        %dma_start3A_586 = arith.constant 0 : i32
        %dma_start3A_587 = arith.constant 0 : i32
        %dma_start3A_588 = tpu.memref_slice %arg3[%dma_start3A_586, %dma_start3A_587] : memref<100000x128xf32, #tpu.memory_space<hbm>> -> memref<100000x128xf32, #tpu.memory_space<hbm>>
        tpu.enqueue_indirect_dma source(%dma_start3A_588 : memref<100000x128xf32, #tpu.memory_space<hbm>>) target(%dma_start3A_582 : memref<64x128xf32, #tpu.memory_space<vmem>>) offsets(%dma_start3A_585 : memref<64xi32, #tpu.memory_space<vmem>>) semaphore(%arg11 : memref<!tpu.dma_semaphore, #tpu.memory_space<semaphore_mem>>) {add = true}
      } else {
      }
      %dma_wait3A_245 = arith.constant 0 : i32
      %dma_wait3A_246 = arith.constant 64 : i32
      %dma_wait3A_247 = arith.constant 0 : i32
      %dma_wait3A_248 = tpu.memref_slice %arg7[%dma_wait3A_246, %dma_wait3A_247] : memref<512x128xf32, #tpu.memory_space<vmem>> -> memref<64x128xf32, #tpu.memory_space<vmem>>
      %dma_wait3A_249 = arith.constant 0 : i32
      %dma_wait3A_250 = tpu.memref_slice %arg6[%dma_wait3A_245, %dma_wait3A_249] : memref<32x256xi32, #tpu.memory_space<vmem>> -> memref<1x64xi32, #tpu.memory_space<vmem>>
      %dma_wait3A_251 = tpu.memref_squeeze %dma_wait3A_250 : memref<1x64xi32, #tpu.memory_space<vmem>> -> memref<64xi32, #tpu.memory_space<vmem>>
      %dma_wait3A_252 = arith.constant 0 : i32
      %dma_wait3A_253 = arith.constant 0 : i32
      %dma_wait3A_254 = tpu.memref_slice %arg3[%dma_wait3A_252, %dma_wait3A_253] : memref<100000x128xf32, #tpu.memory_space<hbm>> -> memref<100000x128xf32, #tpu.memory_space<hbm>>
      tpu.wait_indirect_dma semaphore(%arg9 : memref<!tpu.dma_semaphore, #tpu.memory_space<semaphore_mem>>) src(%dma_wait3A_254 : memref<100000x128xf32, #tpu.memory_space<hbm>>) dst(%dma_wait3A_248 : memref<64x128xf32, #tpu.memory_space<vmem>>)
      %dma_wait3A_255 = arith.constant 0 : i32
      %dma_wait3A_256 = arith.constant 64 : i32
      %dma_wait3A_257 = arith.constant 0 : i32
      %dma_wait3A_258 = tpu.memref_slice %arg7[%dma_wait3A_256, %dma_wait3A_257] : memref<512x128xf32, #tpu.memory_space<vmem>> -> memref<64x128xf32, #tpu.memory_space<vmem>>
      %dma_wait3A_259 = arith.constant 0 : i32
      %dma_wait3A_260 = tpu.memref_slice %arg6[%dma_wait3A_255, %dma_wait3A_259] : memref<32x256xi32, #tpu.memory_space<vmem>> -> memref<1x64xi32, #tpu.memory_space<vmem>>
      %dma_wait3A_261 = tpu.memref_squeeze %dma_wait3A_260 : memref<1x64xi32, #tpu.memory_space<vmem>> -> memref<64xi32, #tpu.memory_space<vmem>>
      %dma_wait3A_262 = arith.constant 0 : i32
      %dma_wait3A_263 = arith.constant 0 : i32
      %dma_wait3A_264 = tpu.memref_slice %arg3[%dma_wait3A_262, %dma_wait3A_263] : memref<100000x128xf32, #tpu.memory_space<hbm>> -> memref<100000x128xf32, #tpu.memory_space<hbm>>
      tpu.wait_indirect_dma semaphore(%arg9 : memref<!tpu.dma_semaphore, #tpu.memory_space<semaphore_mem>>) src(%dma_wait3A_264 : memref<100000x128xf32, #tpu.memory_space<hbm>>) dst(%dma_wait3A_258 : memref<64x128xf32, #tpu.memory_space<vmem>>)
      %add3A_265 = arith.addi %mul3A_2, %add3A_230 : i32
      %sub3A_266 = arith.constant 2 : i32
      %sub3A_267 = arith.subi %add3A_265, %sub3A_266 : i32
      %add3A_268 = arith.constant 1 : i32
      %add3A_269 = arith.addi %sub3A_267, %add3A_268 : i32
      %mul3A_270 = arith.constant 64 : i32
      %mul3A_271 = arith.muli %add3A_269, %mul3A_270 : i32
      %dma_start3A_272 = arith.constant 0 : i32
      %dma_start3A_273 = arith.constant 0 : i32
      %dma_start3A_274 = tpu.memref_slice %arg7[%dma_start3A_272, %dma_start3A_273] : memref<512x128xf32, #tpu.memory_space<vmem>> -> memref<128x128xf32, #tpu.memory_space<vmem>>
      %dma_start3A_275 = arith.constant 0 : i32
      %dma_start3A_276 = tpu.memref_slice %arg4[%mul3A_271, %dma_start3A_275] : memref<65536x128xf32, #tpu.memory_space<hbm>> -> memref<128x128xf32, #tpu.memory_space<hbm>>
      %dma_start3A_277 = arith.constant 0 : i32
      %dma_start3A_278 = tpu.memref_slice %arg4[%mul3A_271, %dma_start3A_277] : memref<65536x128xf32, #tpu.memory_space<hbm>> -> memref<128x128xf32, #tpu.memory_space<hbm>>
      %dma_start3A_279 = arith.constant 0 : i32
      %dma_start3A_280 = arith.constant 0 : i32
      %dma_start3A_281 = tpu.memref_slice %arg7[%dma_start3A_279, %dma_start3A_280] : memref<512x128xf32, #tpu.memory_space<vmem>> -> memref<128x128xf32, #tpu.memory_space<vmem>>
      tpu.enqueue_dma source(%dma_start3A_281 : memref<128x128xf32, #tpu.memory_space<vmem>>) target(%dma_start3A_278 : memref<128x128xf32, #tpu.memory_space<hbm>>) target_semaphore(%arg16 : memref<!tpu.dma_semaphore, #tpu.memory_space<semaphore_mem>>)
      %mul3A_282 = arith.constant 8 : i32
      %mul3A_283 = arith.muli %scan3A_190, %mul3A_282 : i32
      %add3A_284 = arith.constant 2 : i32
      %add3A_285 = arith.addi %mul3A_283, %add3A_284 : i32
      %add3A_286 = arith.constant 4 : i32
      %add3A_287 = arith.addi %add3A_285, %add3A_286 : i32
      %lt3A_288 = arith.constant 32 : i32
      %lt3A_289 = arith.cmpi slt, %add3A_287, %lt3A_288 : i32
      %convert_element_type3A_290 = arith.extui %lt3A_289 : i1 to i32
      %cond3A_291 = arith.constant 0 : i32
      %cond3A_292 = arith.cmpi ne, %convert_element_type3A_290, %cond3A_291 : i32
      scf.if %cond3A_292 {
        %ge3A = arith.constant 8 : i32
        %ge3A_561 = arith.cmpi sge, %add3A_287, %ge3A : i32
        %convert_element_type3A_562 = arith.extui %ge3A_561 : i1 to i32
        %cond3A_563 = arith.constant 0 : i32
        %cond3A_564 = arith.cmpi ne, %convert_element_type3A_562, %cond3A_563 : i32
        scf.if %cond3A_564 {
          %dma_wait3A_574 = arith.constant 0 : i32
          %dma_wait3A_575 = arith.constant 0 : i32
          %dma_wait3A_576 = tpu.memref_slice %arg7[%dma_wait3A_574, %dma_wait3A_575] : memref<512x128xf32, #tpu.memory_space<vmem>> -> memref<128x128xf32, #tpu.memory_space<vmem>>
          %dma_wait3A_577 = arith.constant 0 : i32
          %dma_wait3A_578 = arith.constant 0 : i32
          %dma_wait3A_579 = tpu.memref_slice %arg4[%dma_wait3A_577, %dma_wait3A_578] : memref<65536x128xf32, #tpu.memory_space<hbm>> -> memref<128x128xf32, #tpu.memory_space<hbm>>
          %dma_wait3A_580 = arith.constant 0 : i32
          %dma_wait3A_581 = arith.constant 0 : i32
          %dma_wait3A_582 = tpu.memref_slice %arg4[%dma_wait3A_580, %dma_wait3A_581] : memref<65536x128xf32, #tpu.memory_space<hbm>> -> memref<128x128xf32, #tpu.memory_space<hbm>>
          %dma_wait3A_583 = arith.constant 0 : i32
          %dma_wait3A_584 = arith.constant 0 : i32
          %dma_wait3A_585 = tpu.memref_slice %arg7[%dma_wait3A_583, %dma_wait3A_584] : memref<512x128xf32, #tpu.memory_space<vmem>> -> memref<128x128xf32, #tpu.memory_space<vmem>>
          tpu.wait_dma2 semaphore(%arg19 : memref<!tpu.dma_semaphore, #tpu.memory_space<semaphore_mem>>) src(%dma_wait3A_585 : memref<128x128xf32, #tpu.memory_space<vmem>>) dst(%dma_wait3A_582 : memref<128x128xf32, #tpu.memory_space<hbm>>)
        } else {
        }
        %dma_start3A_565 = arith.constant 384 : i32
        %dma_start3A_566 = arith.constant 0 : i32
        %dma_start3A_567 = tpu.memref_slice %arg7[%dma_start3A_565, %dma_start3A_566] : memref<512x128xf32, #tpu.memory_space<vmem>> -> memref<64x128xf32, #tpu.memory_space<vmem>>
        %dma_start3A_568 = arith.constant 0 : i32
        %dma_start3A_569 = tpu.memref_slice %arg6[%add3A_287, %dma_start3A_568] : memref<32x256xi32, #tpu.memory_space<vmem>> -> memref<1x64xi32, #tpu.memory_space<vmem>>
        %dma_start3A_570 = tpu.memref_squeeze %dma_start3A_569 : memref<1x64xi32, #tpu.memory_space<vmem>> -> memref<64xi32, #tpu.memory_space<vmem>>
        %dma_start3A_571 = arith.constant 0 : i32
        %dma_start3A_572 = arith.constant 0 : i32
        %dma_start3A_573 = tpu.memref_slice %arg3[%dma_start3A_571, %dma_start3A_572] : memref<100000x128xf32, #tpu.memory_space<hbm>> -> memref<100000x128xf32, #tpu.memory_space<hbm>>
        tpu.enqueue_indirect_dma source(%dma_start3A_573 : memref<100000x128xf32, #tpu.memory_space<hbm>>) target(%dma_start3A_567 : memref<64x128xf32, #tpu.memory_space<vmem>>) offsets(%dma_start3A_570 : memref<64xi32, #tpu.memory_space<vmem>>) semaphore(%arg14 : memref<!tpu.dma_semaphore, #tpu.memory_space<semaphore_mem>>)
      } else {
      }
      %add3A_293 = arith.constant 2 : i32
      %add3A_294 = arith.addi %add3A_285, %add3A_293 : i32
      %lt3A_295 = arith.constant 32 : i32
      %lt3A_296 = arith.cmpi slt, %add3A_294, %lt3A_295 : i32
      %convert_element_type3A_297 = arith.extui %lt3A_296 : i1 to i32
      %cond3A_298 = arith.constant 0 : i32
      %cond3A_299 = arith.cmpi ne, %convert_element_type3A_297, %cond3A_298 : i32
      scf.if %cond3A_299 {
        %dma_wait3A_561 = arith.constant 0 : i32
        %dma_wait3A_562 = arith.constant 256 : i32
        %dma_wait3A_563 = arith.constant 0 : i32
        %dma_wait3A_564 = tpu.memref_slice %arg7[%dma_wait3A_562, %dma_wait3A_563] : memref<512x128xf32, #tpu.memory_space<vmem>> -> memref<64x128xf32, #tpu.memory_space<vmem>>
        %dma_wait3A_565 = arith.constant 0 : i32
        %dma_wait3A_566 = tpu.memref_slice %arg6[%dma_wait3A_561, %dma_wait3A_565] : memref<32x256xi32, #tpu.memory_space<vmem>> -> memref<1x64xi32, #tpu.memory_space<vmem>>
        %dma_wait3A_567 = tpu.memref_squeeze %dma_wait3A_566 : memref<1x64xi32, #tpu.memory_space<vmem>> -> memref<64xi32, #tpu.memory_space<vmem>>
        %dma_wait3A_568 = arith.constant 0 : i32
        %dma_wait3A_569 = arith.constant 0 : i32
        %dma_wait3A_570 = tpu.memref_slice %arg3[%dma_wait3A_568, %dma_wait3A_569] : memref<100000x128xf32, #tpu.memory_space<hbm>> -> memref<100000x128xf32, #tpu.memory_space<hbm>>
        tpu.wait_indirect_dma semaphore(%arg12 : memref<!tpu.dma_semaphore, #tpu.memory_space<semaphore_mem>>) src(%dma_wait3A_570 : memref<100000x128xf32, #tpu.memory_space<hbm>>) dst(%dma_wait3A_564 : memref<64x128xf32, #tpu.memory_space<vmem>>)
        %dma_start3A_571 = arith.constant 256 : i32
        %dma_start3A_572 = arith.constant 0 : i32
        %dma_start3A_573 = tpu.memref_slice %arg7[%dma_start3A_571, %dma_start3A_572] : memref<512x128xf32, #tpu.memory_space<vmem>> -> memref<64x128xf32, #tpu.memory_space<vmem>>
        %dma_start3A_574 = arith.constant 64 : i32
        %dma_start3A_575 = tpu.memref_slice %arg6[%add3A_294, %dma_start3A_574] : memref<32x256xi32, #tpu.memory_space<vmem>> -> memref<1x64xi32, #tpu.memory_space<vmem>>
        %dma_start3A_576 = tpu.memref_squeeze %dma_start3A_575 : memref<1x64xi32, #tpu.memory_space<vmem>> -> memref<64xi32, #tpu.memory_space<vmem>>
        %dma_start3A_577 = arith.constant 0 : i32
        %dma_start3A_578 = arith.constant 0 : i32
        %dma_start3A_579 = tpu.memref_slice %arg3[%dma_start3A_577, %dma_start3A_578] : memref<100000x128xf32, #tpu.memory_space<hbm>> -> memref<100000x128xf32, #tpu.memory_space<hbm>>
        tpu.enqueue_indirect_dma source(%dma_start3A_579 : memref<100000x128xf32, #tpu.memory_space<hbm>>) target(%dma_start3A_573 : memref<64x128xf32, #tpu.memory_space<vmem>>) offsets(%dma_start3A_576 : memref<64xi32, #tpu.memory_space<vmem>>) semaphore(%arg12 : memref<!tpu.dma_semaphore, #tpu.memory_space<semaphore_mem>>) {add = true}
        %dma_start3A_580 = arith.constant 256 : i32
        %dma_start3A_581 = arith.constant 0 : i32
        %dma_start3A_582 = tpu.memref_slice %arg7[%dma_start3A_580, %dma_start3A_581] : memref<512x128xf32, #tpu.memory_space<vmem>> -> memref<64x128xf32, #tpu.memory_space<vmem>>
        %dma_start3A_583 = arith.constant 128 : i32
        %dma_start3A_584 = tpu.memref_slice %arg6[%add3A_294, %dma_start3A_583] : memref<32x256xi32, #tpu.memory_space<vmem>> -> memref<1x64xi32, #tpu.memory_space<vmem>>
        %dma_start3A_585 = tpu.memref_squeeze %dma_start3A_584 : memref<1x64xi32, #tpu.memory_space<vmem>> -> memref<64xi32, #tpu.memory_space<vmem>>
        %dma_start3A_586 = arith.constant 0 : i32
        %dma_start3A_587 = arith.constant 0 : i32
        %dma_start3A_588 = tpu.memref_slice %arg3[%dma_start3A_586, %dma_start3A_587] : memref<100000x128xf32, #tpu.memory_space<hbm>> -> memref<100000x128xf32, #tpu.memory_space<hbm>>
        tpu.enqueue_indirect_dma source(%dma_start3A_588 : memref<100000x128xf32, #tpu.memory_space<hbm>>) target(%dma_start3A_582 : memref<64x128xf32, #tpu.memory_space<vmem>>) offsets(%dma_start3A_585 : memref<64xi32, #tpu.memory_space<vmem>>) semaphore(%arg12 : memref<!tpu.dma_semaphore, #tpu.memory_space<semaphore_mem>>) {add = true}
      } else {
      }
      %dma_wait3A_300 = arith.constant 0 : i32
      %dma_wait3A_301 = arith.constant 128 : i32
      %dma_wait3A_302 = arith.constant 0 : i32
      %dma_wait3A_303 = tpu.memref_slice %arg7[%dma_wait3A_301, %dma_wait3A_302] : memref<512x128xf32, #tpu.memory_space<vmem>> -> memref<64x128xf32, #tpu.memory_space<vmem>>
      %dma_wait3A_304 = arith.constant 0 : i32
      %dma_wait3A_305 = tpu.memref_slice %arg6[%dma_wait3A_300, %dma_wait3A_304] : memref<32x256xi32, #tpu.memory_space<vmem>> -> memref<1x64xi32, #tpu.memory_space<vmem>>
      %dma_wait3A_306 = tpu.memref_squeeze %dma_wait3A_305 : memref<1x64xi32, #tpu.memory_space<vmem>> -> memref<64xi32, #tpu.memory_space<vmem>>
      %dma_wait3A_307 = arith.constant 0 : i32
      %dma_wait3A_308 = arith.constant 0 : i32
      %dma_wait3A_309 = tpu.memref_slice %arg3[%dma_wait3A_307, %dma_wait3A_308] : memref<100000x128xf32, #tpu.memory_space<hbm>> -> memref<100000x128xf32, #tpu.memory_space<hbm>>
      tpu.wait_indirect_dma semaphore(%arg10 : memref<!tpu.dma_semaphore, #tpu.memory_space<semaphore_mem>>) src(%dma_wait3A_309 : memref<100000x128xf32, #tpu.memory_space<hbm>>) dst(%dma_wait3A_303 : memref<64x128xf32, #tpu.memory_space<vmem>>)
      %dma_wait3A_310 = arith.constant 0 : i32
      %dma_wait3A_311 = arith.constant 128 : i32
      %dma_wait3A_312 = arith.constant 0 : i32
      %dma_wait3A_313 = tpu.memref_slice %arg7[%dma_wait3A_311, %dma_wait3A_312] : memref<512x128xf32, #tpu.memory_space<vmem>> -> memref<64x128xf32, #tpu.memory_space<vmem>>
      %dma_wait3A_314 = arith.constant 0 : i32
      %dma_wait3A_315 = tpu.memref_slice %arg6[%dma_wait3A_310, %dma_wait3A_314] : memref<32x256xi32, #tpu.memory_space<vmem>> -> memref<1x64xi32, #tpu.memory_space<vmem>>
      %dma_wait3A_316 = tpu.memref_squeeze %dma_wait3A_315 : memref<1x64xi32, #tpu.memory_space<vmem>> -> memref<64xi32, #tpu.memory_space<vmem>>
      %dma_wait3A_317 = arith.constant 0 : i32
      %dma_wait3A_318 = arith.constant 0 : i32
      %dma_wait3A_319 = tpu.memref_slice %arg3[%dma_wait3A_317, %dma_wait3A_318] : memref<100000x128xf32, #tpu.memory_space<hbm>> -> memref<100000x128xf32, #tpu.memory_space<hbm>>
      tpu.wait_indirect_dma semaphore(%arg10 : memref<!tpu.dma_semaphore, #tpu.memory_space<semaphore_mem>>) src(%dma_wait3A_319 : memref<100000x128xf32, #tpu.memory_space<hbm>>) dst(%dma_wait3A_313 : memref<64x128xf32, #tpu.memory_space<vmem>>)
      %mul3A_320 = arith.constant 8 : i32
      %mul3A_321 = arith.muli %scan3A_190, %mul3A_320 : i32
      %add3A_322 = arith.constant 3 : i32
      %add3A_323 = arith.addi %mul3A_321, %add3A_322 : i32
      %add3A_324 = arith.constant 4 : i32
      %add3A_325 = arith.addi %add3A_323, %add3A_324 : i32
      %lt3A_326 = arith.constant 32 : i32
      %lt3A_327 = arith.cmpi slt, %add3A_325, %lt3A_326 : i32
      %convert_element_type3A_328 = arith.extui %lt3A_327 : i1 to i32
      %cond3A_329 = arith.constant 0 : i32
      %cond3A_330 = arith.cmpi ne, %convert_element_type3A_328, %cond3A_329 : i32
      scf.if %cond3A_330 {
        %ge3A = arith.constant 8 : i32
        %ge3A_561 = arith.cmpi sge, %add3A_325, %ge3A : i32
        %convert_element_type3A_562 = arith.extui %ge3A_561 : i1 to i32
        %cond3A_563 = arith.constant 0 : i32
        %cond3A_564 = arith.cmpi ne, %convert_element_type3A_562, %cond3A_563 : i32
        scf.if %cond3A_564 {
        } else {
        }
        %dma_start3A_565 = arith.constant 448 : i32
        %dma_start3A_566 = arith.constant 0 : i32
        %dma_start3A_567 = tpu.memref_slice %arg7[%dma_start3A_565, %dma_start3A_566] : memref<512x128xf32, #tpu.memory_space<vmem>> -> memref<64x128xf32, #tpu.memory_space<vmem>>
        %dma_start3A_568 = arith.constant 0 : i32
        %dma_start3A_569 = tpu.memref_slice %arg6[%add3A_325, %dma_start3A_568] : memref<32x256xi32, #tpu.memory_space<vmem>> -> memref<1x64xi32, #tpu.memory_space<vmem>>
        %dma_start3A_570 = tpu.memref_squeeze %dma_start3A_569 : memref<1x64xi32, #tpu.memory_space<vmem>> -> memref<64xi32, #tpu.memory_space<vmem>>
        %dma_start3A_571 = arith.constant 0 : i32
        %dma_start3A_572 = arith.constant 0 : i32
        %dma_start3A_573 = tpu.memref_slice %arg3[%dma_start3A_571, %dma_start3A_572] : memref<100000x128xf32, #tpu.memory_space<hbm>> -> memref<100000x128xf32, #tpu.memory_space<hbm>>
        tpu.enqueue_indirect_dma source(%dma_start3A_573 : memref<100000x128xf32, #tpu.memory_space<hbm>>) target(%dma_start3A_567 : memref<64x128xf32, #tpu.memory_space<vmem>>) offsets(%dma_start3A_570 : memref<64xi32, #tpu.memory_space<vmem>>) semaphore(%arg15 : memref<!tpu.dma_semaphore, #tpu.memory_space<semaphore_mem>>)
      } else {
      }
      %add3A_331 = arith.constant 2 : i32
      %add3A_332 = arith.addi %add3A_323, %add3A_331 : i32
      %lt3A_333 = arith.constant 32 : i32
      %lt3A_334 = arith.cmpi slt, %add3A_332, %lt3A_333 : i32
      %convert_element_type3A_335 = arith.extui %lt3A_334 : i1 to i32
      %cond3A_336 = arith.constant 0 : i32
      %cond3A_337 = arith.cmpi ne, %convert_element_type3A_335, %cond3A_336 : i32
      scf.if %cond3A_337 {
        %dma_wait3A_561 = arith.constant 0 : i32
        %dma_wait3A_562 = arith.constant 320 : i32
        %dma_wait3A_563 = arith.constant 0 : i32
        %dma_wait3A_564 = tpu.memref_slice %arg7[%dma_wait3A_562, %dma_wait3A_563] : memref<512x128xf32, #tpu.memory_space<vmem>> -> memref<64x128xf32, #tpu.memory_space<vmem>>
        %dma_wait3A_565 = arith.constant 0 : i32
        %dma_wait3A_566 = tpu.memref_slice %arg6[%dma_wait3A_561, %dma_wait3A_565] : memref<32x256xi32, #tpu.memory_space<vmem>> -> memref<1x64xi32, #tpu.memory_space<vmem>>
        %dma_wait3A_567 = tpu.memref_squeeze %dma_wait3A_566 : memref<1x64xi32, #tpu.memory_space<vmem>> -> memref<64xi32, #tpu.memory_space<vmem>>
        %dma_wait3A_568 = arith.constant 0 : i32
        %dma_wait3A_569 = arith.constant 0 : i32
        %dma_wait3A_570 = tpu.memref_slice %arg3[%dma_wait3A_568, %dma_wait3A_569] : memref<100000x128xf32, #tpu.memory_space<hbm>> -> memref<100000x128xf32, #tpu.memory_space<hbm>>
        tpu.wait_indirect_dma semaphore(%arg13 : memref<!tpu.dma_semaphore, #tpu.memory_space<semaphore_mem>>) src(%dma_wait3A_570 : memref<100000x128xf32, #tpu.memory_space<hbm>>) dst(%dma_wait3A_564 : memref<64x128xf32, #tpu.memory_space<vmem>>)
        %dma_start3A_571 = arith.constant 320 : i32
        %dma_start3A_572 = arith.constant 0 : i32
        %dma_start3A_573 = tpu.memref_slice %arg7[%dma_start3A_571, %dma_start3A_572] : memref<512x128xf32, #tpu.memory_space<vmem>> -> memref<64x128xf32, #tpu.memory_space<vmem>>
        %dma_start3A_574 = arith.constant 64 : i32
        %dma_start3A_575 = tpu.memref_slice %arg6[%add3A_332, %dma_start3A_574] : memref<32x256xi32, #tpu.memory_space<vmem>> -> memref<1x64xi32, #tpu.memory_space<vmem>>
        %dma_start3A_576 = tpu.memref_squeeze %dma_start3A_575 : memref<1x64xi32, #tpu.memory_space<vmem>> -> memref<64xi32, #tpu.memory_space<vmem>>
        %dma_start3A_577 = arith.constant 0 : i32
        %dma_start3A_578 = arith.constant 0 : i32
        %dma_start3A_579 = tpu.memref_slice %arg3[%dma_start3A_577, %dma_start3A_578] : memref<100000x128xf32, #tpu.memory_space<hbm>> -> memref<100000x128xf32, #tpu.memory_space<hbm>>
        tpu.enqueue_indirect_dma source(%dma_start3A_579 : memref<100000x128xf32, #tpu.memory_space<hbm>>) target(%dma_start3A_573 : memref<64x128xf32, #tpu.memory_space<vmem>>) offsets(%dma_start3A_576 : memref<64xi32, #tpu.memory_space<vmem>>) semaphore(%arg13 : memref<!tpu.dma_semaphore, #tpu.memory_space<semaphore_mem>>) {add = true}
        %dma_start3A_580 = arith.constant 320 : i32
        %dma_start3A_581 = arith.constant 0 : i32
        %dma_start3A_582 = tpu.memref_slice %arg7[%dma_start3A_580, %dma_start3A_581] : memref<512x128xf32, #tpu.memory_space<vmem>> -> memref<64x128xf32, #tpu.memory_space<vmem>>
        %dma_start3A_583 = arith.constant 128 : i32
        %dma_start3A_584 = tpu.memref_slice %arg6[%add3A_332, %dma_start3A_583] : memref<32x256xi32, #tpu.memory_space<vmem>> -> memref<1x64xi32, #tpu.memory_space<vmem>>
        %dma_start3A_585 = tpu.memref_squeeze %dma_start3A_584 : memref<1x64xi32, #tpu.memory_space<vmem>> -> memref<64xi32, #tpu.memory_space<vmem>>
        %dma_start3A_586 = arith.constant 0 : i32
        %dma_start3A_587 = arith.constant 0 : i32
        %dma_start3A_588 = tpu.memref_slice %arg3[%dma_start3A_586, %dma_start3A_587] : memref<100000x128xf32, #tpu.memory_space<hbm>> -> memref<100000x128xf32, #tpu.memory_space<hbm>>
        tpu.enqueue_indirect_dma source(%dma_start3A_588 : memref<100000x128xf32, #tpu.memory_space<hbm>>) target(%dma_start3A_582 : memref<64x128xf32, #tpu.memory_space<vmem>>) offsets(%dma_start3A_585 : memref<64xi32, #tpu.memory_space<vmem>>) semaphore(%arg13 : memref<!tpu.dma_semaphore, #tpu.memory_space<semaphore_mem>>) {add = true}
      } else {
      }
      %dma_wait3A_338 = arith.constant 0 : i32
      %dma_wait3A_339 = arith.constant 192 : i32
      %dma_wait3A_340 = arith.constant 0 : i32
      %dma_wait3A_341 = tpu.memref_slice %arg7[%dma_wait3A_339, %dma_wait3A_340] : memref<512x128xf32, #tpu.memory_space<vmem>> -> memref<64x128xf32, #tpu.memory_space<vmem>>
      %dma_wait3A_342 = arith.constant 0 : i32
      %dma_wait3A_343 = tpu.memref_slice %arg6[%dma_wait3A_338, %dma_wait3A_342] : memref<32x256xi32, #tpu.memory_space<vmem>> -> memref<1x64xi32, #tpu.memory_space<vmem>>
      %dma_wait3A_344 = tpu.memref_squeeze %dma_wait3A_343 : memref<1x64xi32, #tpu.memory_space<vmem>> -> memref<64xi32, #tpu.memory_space<vmem>>
      %dma_wait3A_345 = arith.constant 0 : i32
      %dma_wait3A_346 = arith.constant 0 : i32
      %dma_wait3A_347 = tpu.memref_slice %arg3[%dma_wait3A_345, %dma_wait3A_346] : memref<100000x128xf32, #tpu.memory_space<hbm>> -> memref<100000x128xf32, #tpu.memory_space<hbm>>
      tpu.wait_indirect_dma semaphore(%arg11 : memref<!tpu.dma_semaphore, #tpu.memory_space<semaphore_mem>>) src(%dma_wait3A_347 : memref<100000x128xf32, #tpu.memory_space<hbm>>) dst(%dma_wait3A_341 : memref<64x128xf32, #tpu.memory_space<vmem>>)
      %dma_wait3A_348 = arith.constant 0 : i32
      %dma_wait3A_349 = arith.constant 192 : i32
      %dma_wait3A_350 = arith.constant 0 : i32
      %dma_wait3A_351 = tpu.memref_slice %arg7[%dma_wait3A_349, %dma_wait3A_350] : memref<512x128xf32, #tpu.memory_space<vmem>> -> memref<64x128xf32, #tpu.memory_space<vmem>>
      %dma_wait3A_352 = arith.constant 0 : i32
      %dma_wait3A_353 = tpu.memref_slice %arg6[%dma_wait3A_348, %dma_wait3A_352] : memref<32x256xi32, #tpu.memory_space<vmem>> -> memref<1x64xi32, #tpu.memory_space<vmem>>
      %dma_wait3A_354 = tpu.memref_squeeze %dma_wait3A_353 : memref<1x64xi32, #tpu.memory_space<vmem>> -> memref<64xi32, #tpu.memory_space<vmem>>
      %dma_wait3A_355 = arith.constant 0 : i32
      %dma_wait3A_356 = arith.constant 0 : i32
      %dma_wait3A_357 = tpu.memref_slice %arg3[%dma_wait3A_355, %dma_wait3A_356] : memref<100000x128xf32, #tpu.memory_space<hbm>> -> memref<100000x128xf32, #tpu.memory_space<hbm>>
      tpu.wait_indirect_dma semaphore(%arg11 : memref<!tpu.dma_semaphore, #tpu.memory_space<semaphore_mem>>) src(%dma_wait3A_357 : memref<100000x128xf32, #tpu.memory_space<hbm>>) dst(%dma_wait3A_351 : memref<64x128xf32, #tpu.memory_space<vmem>>)
      %add3A_358 = arith.addi %mul3A_2, %add3A_323 : i32
      %sub3A_359 = arith.constant 2 : i32
      %sub3A_360 = arith.subi %add3A_358, %sub3A_359 : i32
      %add3A_361 = arith.constant 1 : i32
      %add3A_362 = arith.addi %sub3A_360, %add3A_361 : i32
      %mul3A_363 = arith.constant 64 : i32
      %mul3A_364 = arith.muli %add3A_362, %mul3A_363 : i32
      %dma_start3A_365 = arith.constant 128 : i32
      %dma_start3A_366 = arith.constant 0 : i32
      %dma_start3A_367 = tpu.memref_slice %arg7[%dma_start3A_365, %dma_start3A_366] : memref<512x128xf32, #tpu.memory_space<vmem>> -> memref<128x128xf32, #tpu.memory_space<vmem>>
      %dma_start3A_368 = arith.constant 0 : i32
      %dma_start3A_369 = tpu.memref_slice %arg4[%mul3A_364, %dma_start3A_368] : memref<65536x128xf32, #tpu.memory_space<hbm>> -> memref<128x128xf32, #tpu.memory_space<hbm>>
      %dma_start3A_370 = arith.constant 0 : i32
      %dma_start3A_371 = tpu.memref_slice %arg4[%mul3A_364, %dma_start3A_370] : memref<65536x128xf32, #tpu.memory_space<hbm>> -> memref<128x128xf32, #tpu.memory_space<hbm>>
      %dma_start3A_372 = arith.constant 128 : i32
      %dma_start3A_373 = arith.constant 0 : i32
      %dma_start3A_374 = tpu.memref_slice %arg7[%dma_start3A_372, %dma_start3A_373] : memref<512x128xf32, #tpu.memory_space<vmem>> -> memref<128x128xf32, #tpu.memory_space<vmem>>
      tpu.enqueue_dma source(%dma_start3A_374 : memref<128x128xf32, #tpu.memory_space<vmem>>) target(%dma_start3A_371 : memref<128x128xf32, #tpu.memory_space<hbm>>) target_semaphore(%arg17 : memref<!tpu.dma_semaphore, #tpu.memory_space<semaphore_mem>>)
      %mul3A_375 = arith.constant 8 : i32
      %mul3A_376 = arith.muli %scan3A_190, %mul3A_375 : i32
      %add3A_377 = arith.constant 4 : i32
      %add3A_378 = arith.addi %mul3A_376, %add3A_377 : i32
      %add3A_379 = arith.constant 4 : i32
      %add3A_380 = arith.addi %add3A_378, %add3A_379 : i32
      %lt3A_381 = arith.constant 32 : i32
      %lt3A_382 = arith.cmpi slt, %add3A_380, %lt3A_381 : i32
      %convert_element_type3A_383 = arith.extui %lt3A_382 : i1 to i32
      %cond3A_384 = arith.constant 0 : i32
      %cond3A_385 = arith.cmpi ne, %convert_element_type3A_383, %cond3A_384 : i32
      scf.if %cond3A_385 {
        %ge3A = arith.constant 8 : i32
        %ge3A_561 = arith.cmpi sge, %add3A_380, %ge3A : i32
        %convert_element_type3A_562 = arith.extui %ge3A_561 : i1 to i32
        %cond3A_563 = arith.constant 0 : i32
        %cond3A_564 = arith.cmpi ne, %convert_element_type3A_562, %cond3A_563 : i32
        scf.if %cond3A_564 {
          %dma_wait3A_574 = arith.constant 0 : i32
          %dma_wait3A_575 = arith.constant 0 : i32
          %dma_wait3A_576 = tpu.memref_slice %arg7[%dma_wait3A_574, %dma_wait3A_575] : memref<512x128xf32, #tpu.memory_space<vmem>> -> memref<128x128xf32, #tpu.memory_space<vmem>>
          %dma_wait3A_577 = arith.constant 0 : i32
          %dma_wait3A_578 = arith.constant 0 : i32
          %dma_wait3A_579 = tpu.memref_slice %arg4[%dma_wait3A_577, %dma_wait3A_578] : memref<65536x128xf32, #tpu.memory_space<hbm>> -> memref<128x128xf32, #tpu.memory_space<hbm>>
          %dma_wait3A_580 = arith.constant 0 : i32
          %dma_wait3A_581 = arith.constant 0 : i32
          %dma_wait3A_582 = tpu.memref_slice %arg4[%dma_wait3A_580, %dma_wait3A_581] : memref<65536x128xf32, #tpu.memory_space<hbm>> -> memref<128x128xf32, #tpu.memory_space<hbm>>
          %dma_wait3A_583 = arith.constant 0 : i32
          %dma_wait3A_584 = arith.constant 0 : i32
          %dma_wait3A_585 = tpu.memref_slice %arg7[%dma_wait3A_583, %dma_wait3A_584] : memref<512x128xf32, #tpu.memory_space<vmem>> -> memref<128x128xf32, #tpu.memory_space<vmem>>
          tpu.wait_dma2 semaphore(%arg16 : memref<!tpu.dma_semaphore, #tpu.memory_space<semaphore_mem>>) src(%dma_wait3A_585 : memref<128x128xf32, #tpu.memory_space<vmem>>) dst(%dma_wait3A_582 : memref<128x128xf32, #tpu.memory_space<hbm>>)
        } else {
        }
        %dma_start3A_565 = arith.constant 0 : i32
        %dma_start3A_566 = arith.constant 0 : i32
        %dma_start3A_567 = tpu.memref_slice %arg7[%dma_start3A_565, %dma_start3A_566] : memref<512x128xf32, #tpu.memory_space<vmem>> -> memref<64x128xf32, #tpu.memory_space<vmem>>
        %dma_start3A_568 = arith.constant 0 : i32
        %dma_start3A_569 = tpu.memref_slice %arg6[%add3A_380, %dma_start3A_568] : memref<32x256xi32, #tpu.memory_space<vmem>> -> memref<1x64xi32, #tpu.memory_space<vmem>>
        %dma_start3A_570 = tpu.memref_squeeze %dma_start3A_569 : memref<1x64xi32, #tpu.memory_space<vmem>> -> memref<64xi32, #tpu.memory_space<vmem>>
        %dma_start3A_571 = arith.constant 0 : i32
        %dma_start3A_572 = arith.constant 0 : i32
        %dma_start3A_573 = tpu.memref_slice %arg3[%dma_start3A_571, %dma_start3A_572] : memref<100000x128xf32, #tpu.memory_space<hbm>> -> memref<100000x128xf32, #tpu.memory_space<hbm>>
        tpu.enqueue_indirect_dma source(%dma_start3A_573 : memref<100000x128xf32, #tpu.memory_space<hbm>>) target(%dma_start3A_567 : memref<64x128xf32, #tpu.memory_space<vmem>>) offsets(%dma_start3A_570 : memref<64xi32, #tpu.memory_space<vmem>>) semaphore(%arg8 : memref<!tpu.dma_semaphore, #tpu.memory_space<semaphore_mem>>)
      } else {
      }
      %add3A_386 = arith.constant 2 : i32
      %add3A_387 = arith.addi %add3A_378, %add3A_386 : i32
      %lt3A_388 = arith.constant 32 : i32
      %lt3A_389 = arith.cmpi slt, %add3A_387, %lt3A_388 : i32
      %convert_element_type3A_390 = arith.extui %lt3A_389 : i1 to i32
      %cond3A_391 = arith.constant 0 : i32
      %cond3A_392 = arith.cmpi ne, %convert_element_type3A_390, %cond3A_391 : i32
      scf.if %cond3A_392 {
        %dma_wait3A_561 = arith.constant 0 : i32
        %dma_wait3A_562 = arith.constant 384 : i32
        %dma_wait3A_563 = arith.constant 0 : i32
        %dma_wait3A_564 = tpu.memref_slice %arg7[%dma_wait3A_562, %dma_wait3A_563] : memref<512x128xf32, #tpu.memory_space<vmem>> -> memref<64x128xf32, #tpu.memory_space<vmem>>
        %dma_wait3A_565 = arith.constant 0 : i32
        %dma_wait3A_566 = tpu.memref_slice %arg6[%dma_wait3A_561, %dma_wait3A_565] : memref<32x256xi32, #tpu.memory_space<vmem>> -> memref<1x64xi32, #tpu.memory_space<vmem>>
        %dma_wait3A_567 = tpu.memref_squeeze %dma_wait3A_566 : memref<1x64xi32, #tpu.memory_space<vmem>> -> memref<64xi32, #tpu.memory_space<vmem>>
        %dma_wait3A_568 = arith.constant 0 : i32
        %dma_wait3A_569 = arith.constant 0 : i32
        %dma_wait3A_570 = tpu.memref_slice %arg3[%dma_wait3A_568, %dma_wait3A_569] : memref<100000x128xf32, #tpu.memory_space<hbm>> -> memref<100000x128xf32, #tpu.memory_space<hbm>>
        tpu.wait_indirect_dma semaphore(%arg14 : memref<!tpu.dma_semaphore, #tpu.memory_space<semaphore_mem>>) src(%dma_wait3A_570 : memref<100000x128xf32, #tpu.memory_space<hbm>>) dst(%dma_wait3A_564 : memref<64x128xf32, #tpu.memory_space<vmem>>)
        %dma_start3A_571 = arith.constant 384 : i32
        %dma_start3A_572 = arith.constant 0 : i32
        %dma_start3A_573 = tpu.memref_slice %arg7[%dma_start3A_571, %dma_start3A_572] : memref<512x128xf32, #tpu.memory_space<vmem>> -> memref<64x128xf32, #tpu.memory_space<vmem>>
        %dma_start3A_574 = arith.constant 64 : i32
        %dma_start3A_575 = tpu.memref_slice %arg6[%add3A_387, %dma_start3A_574] : memref<32x256xi32, #tpu.memory_space<vmem>> -> memref<1x64xi32, #tpu.memory_space<vmem>>
        %dma_start3A_576 = tpu.memref_squeeze %dma_start3A_575 : memref<1x64xi32, #tpu.memory_space<vmem>> -> memref<64xi32, #tpu.memory_space<vmem>>
        %dma_start3A_577 = arith.constant 0 : i32
        %dma_start3A_578 = arith.constant 0 : i32
        %dma_start3A_579 = tpu.memref_slice %arg3[%dma_start3A_577, %dma_start3A_578] : memref<100000x128xf32, #tpu.memory_space<hbm>> -> memref<100000x128xf32, #tpu.memory_space<hbm>>
        tpu.enqueue_indirect_dma source(%dma_start3A_579 : memref<100000x128xf32, #tpu.memory_space<hbm>>) target(%dma_start3A_573 : memref<64x128xf32, #tpu.memory_space<vmem>>) offsets(%dma_start3A_576 : memref<64xi32, #tpu.memory_space<vmem>>) semaphore(%arg14 : memref<!tpu.dma_semaphore, #tpu.memory_space<semaphore_mem>>) {add = true}
        %dma_start3A_580 = arith.constant 384 : i32
        %dma_start3A_581 = arith.constant 0 : i32
        %dma_start3A_582 = tpu.memref_slice %arg7[%dma_start3A_580, %dma_start3A_581] : memref<512x128xf32, #tpu.memory_space<vmem>> -> memref<64x128xf32, #tpu.memory_space<vmem>>
        %dma_start3A_583 = arith.constant 128 : i32
        %dma_start3A_584 = tpu.memref_slice %arg6[%add3A_387, %dma_start3A_583] : memref<32x256xi32, #tpu.memory_space<vmem>> -> memref<1x64xi32, #tpu.memory_space<vmem>>
        %dma_start3A_585 = tpu.memref_squeeze %dma_start3A_584 : memref<1x64xi32, #tpu.memory_space<vmem>> -> memref<64xi32, #tpu.memory_space<vmem>>
        %dma_start3A_586 = arith.constant 0 : i32
        %dma_start3A_587 = arith.constant 0 : i32
        %dma_start3A_588 = tpu.memref_slice %arg3[%dma_start3A_586, %dma_start3A_587] : memref<100000x128xf32, #tpu.memory_space<hbm>> -> memref<100000x128xf32, #tpu.memory_space<hbm>>
        tpu.enqueue_indirect_dma source(%dma_start3A_588 : memref<100000x128xf32, #tpu.memory_space<hbm>>) target(%dma_start3A_582 : memref<64x128xf32, #tpu.memory_space<vmem>>) offsets(%dma_start3A_585 : memref<64xi32, #tpu.memory_space<vmem>>) semaphore(%arg14 : memref<!tpu.dma_semaphore, #tpu.memory_space<semaphore_mem>>) {add = true}
      } else {
      }
      %dma_wait3A_393 = arith.constant 0 : i32
      %dma_wait3A_394 = arith.constant 256 : i32
      %dma_wait3A_395 = arith.constant 0 : i32
      %dma_wait3A_396 = tpu.memref_slice %arg7[%dma_wait3A_394, %dma_wait3A_395] : memref<512x128xf32, #tpu.memory_space<vmem>> -> memref<64x128xf32, #tpu.memory_space<vmem>>
      %dma_wait3A_397 = arith.constant 0 : i32
      %dma_wait3A_398 = tpu.memref_slice %arg6[%dma_wait3A_393, %dma_wait3A_397] : memref<32x256xi32, #tpu.memory_space<vmem>> -> memref<1x64xi32, #tpu.memory_space<vmem>>
      %dma_wait3A_399 = tpu.memref_squeeze %dma_wait3A_398 : memref<1x64xi32, #tpu.memory_space<vmem>> -> memref<64xi32, #tpu.memory_space<vmem>>
      %dma_wait3A_400 = arith.constant 0 : i32
      %dma_wait3A_401 = arith.constant 0 : i32
      %dma_wait3A_402 = tpu.memref_slice %arg3[%dma_wait3A_400, %dma_wait3A_401] : memref<100000x128xf32, #tpu.memory_space<hbm>> -> memref<100000x128xf32, #tpu.memory_space<hbm>>
      tpu.wait_indirect_dma semaphore(%arg12 : memref<!tpu.dma_semaphore, #tpu.memory_space<semaphore_mem>>) src(%dma_wait3A_402 : memref<100000x128xf32, #tpu.memory_space<hbm>>) dst(%dma_wait3A_396 : memref<64x128xf32, #tpu.memory_space<vmem>>)
      %dma_wait3A_403 = arith.constant 0 : i32
      %dma_wait3A_404 = arith.constant 256 : i32
      %dma_wait3A_405 = arith.constant 0 : i32
      %dma_wait3A_406 = tpu.memref_slice %arg7[%dma_wait3A_404, %dma_wait3A_405] : memref<512x128xf32, #tpu.memory_space<vmem>> -> memref<64x128xf32, #tpu.memory_space<vmem>>
      %dma_wait3A_407 = arith.constant 0 : i32
      %dma_wait3A_408 = tpu.memref_slice %arg6[%dma_wait3A_403, %dma_wait3A_407] : memref<32x256xi32, #tpu.memory_space<vmem>> -> memref<1x64xi32, #tpu.memory_space<vmem>>
      %dma_wait3A_409 = tpu.memref_squeeze %dma_wait3A_408 : memref<1x64xi32, #tpu.memory_space<vmem>> -> memref<64xi32, #tpu.memory_space<vmem>>
      %dma_wait3A_410 = arith.constant 0 : i32
      %dma_wait3A_411 = arith.constant 0 : i32
      %dma_wait3A_412 = tpu.memref_slice %arg3[%dma_wait3A_410, %dma_wait3A_411] : memref<100000x128xf32, #tpu.memory_space<hbm>> -> memref<100000x128xf32, #tpu.memory_space<hbm>>
      tpu.wait_indirect_dma semaphore(%arg12 : memref<!tpu.dma_semaphore, #tpu.memory_space<semaphore_mem>>) src(%dma_wait3A_412 : memref<100000x128xf32, #tpu.memory_space<hbm>>) dst(%dma_wait3A_406 : memref<64x128xf32, #tpu.memory_space<vmem>>)
      %mul3A_413 = arith.constant 8 : i32
      %mul3A_414 = arith.muli %scan3A_190, %mul3A_413 : i32
      %add3A_415 = arith.constant 5 : i32
      %add3A_416 = arith.addi %mul3A_414, %add3A_415 : i32
      %add3A_417 = arith.constant 4 : i32
      %add3A_418 = arith.addi %add3A_416, %add3A_417 : i32
      %lt3A_419 = arith.constant 32 : i32
      %lt3A_420 = arith.cmpi slt, %add3A_418, %lt3A_419 : i32
      %convert_element_type3A_421 = arith.extui %lt3A_420 : i1 to i32
      %cond3A_422 = arith.constant 0 : i32
      %cond3A_423 = arith.cmpi ne, %convert_element_type3A_421, %cond3A_422 : i32
      scf.if %cond3A_423 {
        %ge3A = arith.constant 8 : i32
        %ge3A_561 = arith.cmpi sge, %add3A_418, %ge3A : i32
        %convert_element_type3A_562 = arith.extui %ge3A_561 : i1 to i32
        %cond3A_563 = arith.constant 0 : i32
        %cond3A_564 = arith.cmpi ne, %convert_element_type3A_562, %cond3A_563 : i32
        scf.if %cond3A_564 {
        } else {
        }
        %dma_start3A_565 = arith.constant 64 : i32
        %dma_start3A_566 = arith.constant 0 : i32
        %dma_start3A_567 = tpu.memref_slice %arg7[%dma_start3A_565, %dma_start3A_566] : memref<512x128xf32, #tpu.memory_space<vmem>> -> memref<64x128xf32, #tpu.memory_space<vmem>>
        %dma_start3A_568 = arith.constant 0 : i32
        %dma_start3A_569 = tpu.memref_slice %arg6[%add3A_418, %dma_start3A_568] : memref<32x256xi32, #tpu.memory_space<vmem>> -> memref<1x64xi32, #tpu.memory_space<vmem>>
        %dma_start3A_570 = tpu.memref_squeeze %dma_start3A_569 : memref<1x64xi32, #tpu.memory_space<vmem>> -> memref<64xi32, #tpu.memory_space<vmem>>
        %dma_start3A_571 = arith.constant 0 : i32
        %dma_start3A_572 = arith.constant 0 : i32
        %dma_start3A_573 = tpu.memref_slice %arg3[%dma_start3A_571, %dma_start3A_572] : memref<100000x128xf32, #tpu.memory_space<hbm>> -> memref<100000x128xf32, #tpu.memory_space<hbm>>
        tpu.enqueue_indirect_dma source(%dma_start3A_573 : memref<100000x128xf32, #tpu.memory_space<hbm>>) target(%dma_start3A_567 : memref<64x128xf32, #tpu.memory_space<vmem>>) offsets(%dma_start3A_570 : memref<64xi32, #tpu.memory_space<vmem>>) semaphore(%arg9 : memref<!tpu.dma_semaphore, #tpu.memory_space<semaphore_mem>>)
      } else {
      }
      %add3A_424 = arith.constant 2 : i32
      %add3A_425 = arith.addi %add3A_416, %add3A_424 : i32
      %lt3A_426 = arith.constant 32 : i32
      %lt3A_427 = arith.cmpi slt, %add3A_425, %lt3A_426 : i32
      %convert_element_type3A_428 = arith.extui %lt3A_427 : i1 to i32
      %cond3A_429 = arith.constant 0 : i32
      %cond3A_430 = arith.cmpi ne, %convert_element_type3A_428, %cond3A_429 : i32
      scf.if %cond3A_430 {
        %dma_wait3A_561 = arith.constant 0 : i32
        %dma_wait3A_562 = arith.constant 448 : i32
        %dma_wait3A_563 = arith.constant 0 : i32
        %dma_wait3A_564 = tpu.memref_slice %arg7[%dma_wait3A_562, %dma_wait3A_563] : memref<512x128xf32, #tpu.memory_space<vmem>> -> memref<64x128xf32, #tpu.memory_space<vmem>>
        %dma_wait3A_565 = arith.constant 0 : i32
        %dma_wait3A_566 = tpu.memref_slice %arg6[%dma_wait3A_561, %dma_wait3A_565] : memref<32x256xi32, #tpu.memory_space<vmem>> -> memref<1x64xi32, #tpu.memory_space<vmem>>
        %dma_wait3A_567 = tpu.memref_squeeze %dma_wait3A_566 : memref<1x64xi32, #tpu.memory_space<vmem>> -> memref<64xi32, #tpu.memory_space<vmem>>
        %dma_wait3A_568 = arith.constant 0 : i32
        %dma_wait3A_569 = arith.constant 0 : i32
        %dma_wait3A_570 = tpu.memref_slice %arg3[%dma_wait3A_568, %dma_wait3A_569] : memref<100000x128xf32, #tpu.memory_space<hbm>> -> memref<100000x128xf32, #tpu.memory_space<hbm>>
        tpu.wait_indirect_dma semaphore(%arg15 : memref<!tpu.dma_semaphore, #tpu.memory_space<semaphore_mem>>) src(%dma_wait3A_570 : memref<100000x128xf32, #tpu.memory_space<hbm>>) dst(%dma_wait3A_564 : memref<64x128xf32, #tpu.memory_space<vmem>>)
        %dma_start3A_571 = arith.constant 448 : i32
        %dma_start3A_572 = arith.constant 0 : i32
        %dma_start3A_573 = tpu.memref_slice %arg7[%dma_start3A_571, %dma_start3A_572] : memref<512x128xf32, #tpu.memory_space<vmem>> -> memref<64x128xf32, #tpu.memory_space<vmem>>
        %dma_start3A_574 = arith.constant 64 : i32
        %dma_start3A_575 = tpu.memref_slice %arg6[%add3A_425, %dma_start3A_574] : memref<32x256xi32, #tpu.memory_space<vmem>> -> memref<1x64xi32, #tpu.memory_space<vmem>>
        %dma_start3A_576 = tpu.memref_squeeze %dma_start3A_575 : memref<1x64xi32, #tpu.memory_space<vmem>> -> memref<64xi32, #tpu.memory_space<vmem>>
        %dma_start3A_577 = arith.constant 0 : i32
        %dma_start3A_578 = arith.constant 0 : i32
        %dma_start3A_579 = tpu.memref_slice %arg3[%dma_start3A_577, %dma_start3A_578] : memref<100000x128xf32, #tpu.memory_space<hbm>> -> memref<100000x128xf32, #tpu.memory_space<hbm>>
        tpu.enqueue_indirect_dma source(%dma_start3A_579 : memref<100000x128xf32, #tpu.memory_space<hbm>>) target(%dma_start3A_573 : memref<64x128xf32, #tpu.memory_space<vmem>>) offsets(%dma_start3A_576 : memref<64xi32, #tpu.memory_space<vmem>>) semaphore(%arg15 : memref<!tpu.dma_semaphore, #tpu.memory_space<semaphore_mem>>) {add = true}
        %dma_start3A_580 = arith.constant 448 : i32
        %dma_start3A_581 = arith.constant 0 : i32
        %dma_start3A_582 = tpu.memref_slice %arg7[%dma_start3A_580, %dma_start3A_581] : memref<512x128xf32, #tpu.memory_space<vmem>> -> memref<64x128xf32, #tpu.memory_space<vmem>>
        %dma_start3A_583 = arith.constant 128 : i32
        %dma_start3A_584 = tpu.memref_slice %arg6[%add3A_425, %dma_start3A_583] : memref<32x256xi32, #tpu.memory_space<vmem>> -> memref<1x64xi32, #tpu.memory_space<vmem>>
        %dma_start3A_585 = tpu.memref_squeeze %dma_start3A_584 : memref<1x64xi32, #tpu.memory_space<vmem>> -> memref<64xi32, #tpu.memory_space<vmem>>
        %dma_start3A_586 = arith.constant 0 : i32
        %dma_start3A_587 = arith.constant 0 : i32
        %dma_start3A_588 = tpu.memref_slice %arg3[%dma_start3A_586, %dma_start3A_587] : memref<100000x128xf32, #tpu.memory_space<hbm>> -> memref<100000x128xf32, #tpu.memory_space<hbm>>
        tpu.enqueue_indirect_dma source(%dma_start3A_588 : memref<100000x128xf32, #tpu.memory_space<hbm>>) target(%dma_start3A_582 : memref<64x128xf32, #tpu.memory_space<vmem>>) offsets(%dma_start3A_585 : memref<64xi32, #tpu.memory_space<vmem>>) semaphore(%arg15 : memref<!tpu.dma_semaphore, #tpu.memory_space<semaphore_mem>>) {add = true}
      } else {
      }
      %dma_wait3A_431 = arith.constant 0 : i32
      %dma_wait3A_432 = arith.constant 320 : i32
      %dma_wait3A_433 = arith.constant 0 : i32
      %dma_wait3A_434 = tpu.memref_slice %arg7[%dma_wait3A_432, %dma_wait3A_433] : memref<512x128xf32, #tpu.memory_space<vmem>> -> memref<64x128xf32, #tpu.memory_space<vmem>>
      %dma_wait3A_435 = arith.constant 0 : i32
      %dma_wait3A_436 = tpu.memref_slice %arg6[%dma_wait3A_431, %dma_wait3A_435] : memref<32x256xi32, #tpu.memory_space<vmem>> -> memref<1x64xi32, #tpu.memory_space<vmem>>
      %dma_wait3A_437 = tpu.memref_squeeze %dma_wait3A_436 : memref<1x64xi32, #tpu.memory_space<vmem>> -> memref<64xi32, #tpu.memory_space<vmem>>
      %dma_wait3A_438 = arith.constant 0 : i32
      %dma_wait3A_439 = arith.constant 0 : i32
      %dma_wait3A_440 = tpu.memref_slice %arg3[%dma_wait3A_438, %dma_wait3A_439] : memref<100000x128xf32, #tpu.memory_space<hbm>> -> memref<100000x128xf32, #tpu.memory_space<hbm>>
      tpu.wait_indirect_dma semaphore(%arg13 : memref<!tpu.dma_semaphore, #tpu.memory_space<semaphore_mem>>) src(%dma_wait3A_440 : memref<100000x128xf32, #tpu.memory_space<hbm>>) dst(%dma_wait3A_434 : memref<64x128xf32, #tpu.memory_space<vmem>>)
      %dma_wait3A_441 = arith.constant 0 : i32
      %dma_wait3A_442 = arith.constant 320 : i32
      %dma_wait3A_443 = arith.constant 0 : i32
      %dma_wait3A_444 = tpu.memref_slice %arg7[%dma_wait3A_442, %dma_wait3A_443] : memref<512x128xf32, #tpu.memory_space<vmem>> -> memref<64x128xf32, #tpu.memory_space<vmem>>
      %dma_wait3A_445 = arith.constant 0 : i32
      %dma_wait3A_446 = tpu.memref_slice %arg6[%dma_wait3A_441, %dma_wait3A_445] : memref<32x256xi32, #tpu.memory_space<vmem>> -> memref<1x64xi32, #tpu.memory_space<vmem>>
      %dma_wait3A_447 = tpu.memref_squeeze %dma_wait3A_446 : memref<1x64xi32, #tpu.memory_space<vmem>> -> memref<64xi32, #tpu.memory_space<vmem>>
      %dma_wait3A_448 = arith.constant 0 : i32
      %dma_wait3A_449 = arith.constant 0 : i32
      %dma_wait3A_450 = tpu.memref_slice %arg3[%dma_wait3A_448, %dma_wait3A_449] : memref<100000x128xf32, #tpu.memory_space<hbm>> -> memref<100000x128xf32, #tpu.memory_space<hbm>>
      tpu.wait_indirect_dma semaphore(%arg13 : memref<!tpu.dma_semaphore, #tpu.memory_space<semaphore_mem>>) src(%dma_wait3A_450 : memref<100000x128xf32, #tpu.memory_space<hbm>>) dst(%dma_wait3A_444 : memref<64x128xf32, #tpu.memory_space<vmem>>)
      %add3A_451 = arith.addi %mul3A_2, %add3A_416 : i32
      %sub3A_452 = arith.constant 2 : i32
      %sub3A_453 = arith.subi %add3A_451, %sub3A_452 : i32
      %add3A_454 = arith.constant 1 : i32
      %add3A_455 = arith.addi %sub3A_453, %add3A_454 : i32
      %mul3A_456 = arith.constant 64 : i32
      %mul3A_457 = arith.muli %add3A_455, %mul3A_456 : i32
      %dma_start3A_458 = arith.constant 256 : i32
      %dma_start3A_459 = arith.constant 0 : i32
      %dma_start3A_460 = tpu.memref_slice %arg7[%dma_start3A_458, %dma_start3A_459] : memref<512x128xf32, #tpu.memory_space<vmem>> -> memref<128x128xf32, #tpu.memory_space<vmem>>
      %dma_start3A_461 = arith.constant 0 : i32
      %dma_start3A_462 = tpu.memref_slice %arg4[%mul3A_457, %dma_start3A_461] : memref<65536x128xf32, #tpu.memory_space<hbm>> -> memref<128x128xf32, #tpu.memory_space<hbm>>
      %dma_start3A_463 = arith.constant 0 : i32
      %dma_start3A_464 = tpu.memref_slice %arg4[%mul3A_457, %dma_start3A_463] : memref<65536x128xf32, #tpu.memory_space<hbm>> -> memref<128x128xf32, #tpu.memory_space<hbm>>
      %dma_start3A_465 = arith.constant 256 : i32
      %dma_start3A_466 = arith.constant 0 : i32
      %dma_start3A_467 = tpu.memref_slice %arg7[%dma_start3A_465, %dma_start3A_466] : memref<512x128xf32, #tpu.memory_space<vmem>> -> memref<128x128xf32, #tpu.memory_space<vmem>>
      tpu.enqueue_dma source(%dma_start3A_467 : memref<128x128xf32, #tpu.memory_space<vmem>>) target(%dma_start3A_464 : memref<128x128xf32, #tpu.memory_space<hbm>>) target_semaphore(%arg18 : memref<!tpu.dma_semaphore, #tpu.memory_space<semaphore_mem>>)
      %mul3A_468 = arith.constant 8 : i32
      %mul3A_469 = arith.muli %scan3A_190, %mul3A_468 : i32
      %add3A_470 = arith.constant 6 : i32
      %add3A_471 = arith.addi %mul3A_469, %add3A_470 : i32
      %add3A_472 = arith.constant 4 : i32
      %add3A_473 = arith.addi %add3A_471, %add3A_472 : i32
      %lt3A_474 = arith.constant 32 : i32
      %lt3A_475 = arith.cmpi slt, %add3A_473, %lt3A_474 : i32
      %convert_element_type3A_476 = arith.extui %lt3A_475 : i1 to i32
      %cond3A_477 = arith.constant 0 : i32
      %cond3A_478 = arith.cmpi ne, %convert_element_type3A_476, %cond3A_477 : i32
      scf.if %cond3A_478 {
        %ge3A = arith.constant 8 : i32
        %ge3A_561 = arith.cmpi sge, %add3A_473, %ge3A : i32
        %convert_element_type3A_562 = arith.extui %ge3A_561 : i1 to i32
        %cond3A_563 = arith.constant 0 : i32
        %cond3A_564 = arith.cmpi ne, %convert_element_type3A_562, %cond3A_563 : i32
        scf.if %cond3A_564 {
          %dma_wait3A_574 = arith.constant 0 : i32
          %dma_wait3A_575 = arith.constant 0 : i32
          %dma_wait3A_576 = tpu.memref_slice %arg7[%dma_wait3A_574, %dma_wait3A_575] : memref<512x128xf32, #tpu.memory_space<vmem>> -> memref<128x128xf32, #tpu.memory_space<vmem>>
          %dma_wait3A_577 = arith.constant 0 : i32
          %dma_wait3A_578 = arith.constant 0 : i32
          %dma_wait3A_579 = tpu.memref_slice %arg4[%dma_wait3A_577, %dma_wait3A_578] : memref<65536x128xf32, #tpu.memory_space<hbm>> -> memref<128x128xf32, #tpu.memory_space<hbm>>
          %dma_wait3A_580 = arith.constant 0 : i32
          %dma_wait3A_581 = arith.constant 0 : i32
          %dma_wait3A_582 = tpu.memref_slice %arg4[%dma_wait3A_580, %dma_wait3A_581] : memref<65536x128xf32, #tpu.memory_space<hbm>> -> memref<128x128xf32, #tpu.memory_space<hbm>>
          %dma_wait3A_583 = arith.constant 0 : i32
          %dma_wait3A_584 = arith.constant 0 : i32
          %dma_wait3A_585 = tpu.memref_slice %arg7[%dma_wait3A_583, %dma_wait3A_584] : memref<512x128xf32, #tpu.memory_space<vmem>> -> memref<128x128xf32, #tpu.memory_space<vmem>>
          tpu.wait_dma2 semaphore(%arg17 : memref<!tpu.dma_semaphore, #tpu.memory_space<semaphore_mem>>) src(%dma_wait3A_585 : memref<128x128xf32, #tpu.memory_space<vmem>>) dst(%dma_wait3A_582 : memref<128x128xf32, #tpu.memory_space<hbm>>)
        } else {
        }
        %dma_start3A_565 = arith.constant 128 : i32
        %dma_start3A_566 = arith.constant 0 : i32
        %dma_start3A_567 = tpu.memref_slice %arg7[%dma_start3A_565, %dma_start3A_566] : memref<512x128xf32, #tpu.memory_space<vmem>> -> memref<64x128xf32, #tpu.memory_space<vmem>>
        %dma_start3A_568 = arith.constant 0 : i32
        %dma_start3A_569 = tpu.memref_slice %arg6[%add3A_473, %dma_start3A_568] : memref<32x256xi32, #tpu.memory_space<vmem>> -> memref<1x64xi32, #tpu.memory_space<vmem>>
        %dma_start3A_570 = tpu.memref_squeeze %dma_start3A_569 : memref<1x64xi32, #tpu.memory_space<vmem>> -> memref<64xi32, #tpu.memory_space<vmem>>
        %dma_start3A_571 = arith.constant 0 : i32
        %dma_start3A_572 = arith.constant 0 : i32
        %dma_start3A_573 = tpu.memref_slice %arg3[%dma_start3A_571, %dma_start3A_572] : memref<100000x128xf32, #tpu.memory_space<hbm>> -> memref<100000x128xf32, #tpu.memory_space<hbm>>
        tpu.enqueue_indirect_dma source(%dma_start3A_573 : memref<100000x128xf32, #tpu.memory_space<hbm>>) target(%dma_start3A_567 : memref<64x128xf32, #tpu.memory_space<vmem>>) offsets(%dma_start3A_570 : memref<64xi32, #tpu.memory_space<vmem>>) semaphore(%arg10 : memref<!tpu.dma_semaphore, #tpu.memory_space<semaphore_mem>>)
      } else {
      }
      %add3A_479 = arith.constant 2 : i32
      %add3A_480 = arith.addi %add3A_471, %add3A_479 : i32
      %lt3A_481 = arith.constant 32 : i32
      %lt3A_482 = arith.cmpi slt, %add3A_480, %lt3A_481 : i32
      %convert_element_type3A_483 = arith.extui %lt3A_482 : i1 to i32
      %cond3A_484 = arith.constant 0 : i32
      %cond3A_485 = arith.cmpi ne, %convert_element_type3A_483, %cond3A_484 : i32
      scf.if %cond3A_485 {
        %dma_wait3A_561 = arith.constant 0 : i32
        %dma_wait3A_562 = arith.constant 0 : i32
        %dma_wait3A_563 = arith.constant 0 : i32
        %dma_wait3A_564 = tpu.memref_slice %arg7[%dma_wait3A_562, %dma_wait3A_563] : memref<512x128xf32, #tpu.memory_space<vmem>> -> memref<64x128xf32, #tpu.memory_space<vmem>>
        %dma_wait3A_565 = arith.constant 0 : i32
        %dma_wait3A_566 = tpu.memref_slice %arg6[%dma_wait3A_561, %dma_wait3A_565] : memref<32x256xi32, #tpu.memory_space<vmem>> -> memref<1x64xi32, #tpu.memory_space<vmem>>
        %dma_wait3A_567 = tpu.memref_squeeze %dma_wait3A_566 : memref<1x64xi32, #tpu.memory_space<vmem>> -> memref<64xi32, #tpu.memory_space<vmem>>
        %dma_wait3A_568 = arith.constant 0 : i32
        %dma_wait3A_569 = arith.constant 0 : i32
        %dma_wait3A_570 = tpu.memref_slice %arg3[%dma_wait3A_568, %dma_wait3A_569] : memref<100000x128xf32, #tpu.memory_space<hbm>> -> memref<100000x128xf32, #tpu.memory_space<hbm>>
        tpu.wait_indirect_dma semaphore(%arg8 : memref<!tpu.dma_semaphore, #tpu.memory_space<semaphore_mem>>) src(%dma_wait3A_570 : memref<100000x128xf32, #tpu.memory_space<hbm>>) dst(%dma_wait3A_564 : memref<64x128xf32, #tpu.memory_space<vmem>>)
        %dma_start3A_571 = arith.constant 0 : i32
        %dma_start3A_572 = arith.constant 0 : i32
        %dma_start3A_573 = tpu.memref_slice %arg7[%dma_start3A_571, %dma_start3A_572] : memref<512x128xf32, #tpu.memory_space<vmem>> -> memref<64x128xf32, #tpu.memory_space<vmem>>
        %dma_start3A_574 = arith.constant 64 : i32
        %dma_start3A_575 = tpu.memref_slice %arg6[%add3A_480, %dma_start3A_574] : memref<32x256xi32, #tpu.memory_space<vmem>> -> memref<1x64xi32, #tpu.memory_space<vmem>>
        %dma_start3A_576 = tpu.memref_squeeze %dma_start3A_575 : memref<1x64xi32, #tpu.memory_space<vmem>> -> memref<64xi32, #tpu.memory_space<vmem>>
        %dma_start3A_577 = arith.constant 0 : i32
        %dma_start3A_578 = arith.constant 0 : i32
        %dma_start3A_579 = tpu.memref_slice %arg3[%dma_start3A_577, %dma_start3A_578] : memref<100000x128xf32, #tpu.memory_space<hbm>> -> memref<100000x128xf32, #tpu.memory_space<hbm>>
        tpu.enqueue_indirect_dma source(%dma_start3A_579 : memref<100000x128xf32, #tpu.memory_space<hbm>>) target(%dma_start3A_573 : memref<64x128xf32, #tpu.memory_space<vmem>>) offsets(%dma_start3A_576 : memref<64xi32, #tpu.memory_space<vmem>>) semaphore(%arg8 : memref<!tpu.dma_semaphore, #tpu.memory_space<semaphore_mem>>) {add = true}
        %dma_start3A_580 = arith.constant 0 : i32
        %dma_start3A_581 = arith.constant 0 : i32
        %dma_start3A_582 = tpu.memref_slice %arg7[%dma_start3A_580, %dma_start3A_581] : memref<512x128xf32, #tpu.memory_space<vmem>> -> memref<64x128xf32, #tpu.memory_space<vmem>>
        %dma_start3A_583 = arith.constant 128 : i32
        %dma_start3A_584 = tpu.memref_slice %arg6[%add3A_480, %dma_start3A_583] : memref<32x256xi32, #tpu.memory_space<vmem>> -> memref<1x64xi32, #tpu.memory_space<vmem>>
        %dma_start3A_585 = tpu.memref_squeeze %dma_start3A_584 : memref<1x64xi32, #tpu.memory_space<vmem>> -> memref<64xi32, #tpu.memory_space<vmem>>
        %dma_start3A_586 = arith.constant 0 : i32
        %dma_start3A_587 = arith.constant 0 : i32
        %dma_start3A_588 = tpu.memref_slice %arg3[%dma_start3A_586, %dma_start3A_587] : memref<100000x128xf32, #tpu.memory_space<hbm>> -> memref<100000x128xf32, #tpu.memory_space<hbm>>
        tpu.enqueue_indirect_dma source(%dma_start3A_588 : memref<100000x128xf32, #tpu.memory_space<hbm>>) target(%dma_start3A_582 : memref<64x128xf32, #tpu.memory_space<vmem>>) offsets(%dma_start3A_585 : memref<64xi32, #tpu.memory_space<vmem>>) semaphore(%arg8 : memref<!tpu.dma_semaphore, #tpu.memory_space<semaphore_mem>>) {add = true}
      } else {
      }
      %dma_wait3A_486 = arith.constant 0 : i32
      %dma_wait3A_487 = arith.constant 384 : i32
      %dma_wait3A_488 = arith.constant 0 : i32
      %dma_wait3A_489 = tpu.memref_slice %arg7[%dma_wait3A_487, %dma_wait3A_488] : memref<512x128xf32, #tpu.memory_space<vmem>> -> memref<64x128xf32, #tpu.memory_space<vmem>>
      %dma_wait3A_490 = arith.constant 0 : i32
      %dma_wait3A_491 = tpu.memref_slice %arg6[%dma_wait3A_486, %dma_wait3A_490] : memref<32x256xi32, #tpu.memory_space<vmem>> -> memref<1x64xi32, #tpu.memory_space<vmem>>
      %dma_wait3A_492 = tpu.memref_squeeze %dma_wait3A_491 : memref<1x64xi32, #tpu.memory_space<vmem>> -> memref<64xi32, #tpu.memory_space<vmem>>
      %dma_wait3A_493 = arith.constant 0 : i32
      %dma_wait3A_494 = arith.constant 0 : i32
      %dma_wait3A_495 = tpu.memref_slice %arg3[%dma_wait3A_493, %dma_wait3A_494] : memref<100000x128xf32, #tpu.memory_space<hbm>> -> memref<100000x128xf32, #tpu.memory_space<hbm>>
      tpu.wait_indirect_dma semaphore(%arg14 : memref<!tpu.dma_semaphore, #tpu.memory_space<semaphore_mem>>) src(%dma_wait3A_495 : memref<100000x128xf32, #tpu.memory_space<hbm>>) dst(%dma_wait3A_489 : memref<64x128xf32, #tpu.memory_space<vmem>>)
      %dma_wait3A_496 = arith.constant 0 : i32
      %dma_wait3A_497 = arith.constant 384 : i32
      %dma_wait3A_498 = arith.constant 0 : i32
      %dma_wait3A_499 = tpu.memref_slice %arg7[%dma_wait3A_497, %dma_wait3A_498] : memref<512x128xf32, #tpu.memory_space<vmem>> -> memref<64x128xf32, #tpu.memory_space<vmem>>
      %dma_wait3A_500 = arith.constant 0 : i32
      %dma_wait3A_501 = tpu.memref_slice %arg6[%dma_wait3A_496, %dma_wait3A_500] : memref<32x256xi32, #tpu.memory_space<vmem>> -> memref<1x64xi32, #tpu.memory_space<vmem>>
      %dma_wait3A_502 = tpu.memref_squeeze %dma_wait3A_501 : memref<1x64xi32, #tpu.memory_space<vmem>> -> memref<64xi32, #tpu.memory_space<vmem>>
      %dma_wait3A_503 = arith.constant 0 : i32
      %dma_wait3A_504 = arith.constant 0 : i32
      %dma_wait3A_505 = tpu.memref_slice %arg3[%dma_wait3A_503, %dma_wait3A_504] : memref<100000x128xf32, #tpu.memory_space<hbm>> -> memref<100000x128xf32, #tpu.memory_space<hbm>>
      tpu.wait_indirect_dma semaphore(%arg14 : memref<!tpu.dma_semaphore, #tpu.memory_space<semaphore_mem>>) src(%dma_wait3A_505 : memref<100000x128xf32, #tpu.memory_space<hbm>>) dst(%dma_wait3A_499 : memref<64x128xf32, #tpu.memory_space<vmem>>)
      %mul3A_506 = arith.constant 8 : i32
      %mul3A_507 = arith.muli %scan3A_190, %mul3A_506 : i32
      %add3A_508 = arith.constant 7 : i32
      %add3A_509 = arith.addi %mul3A_507, %add3A_508 : i32
      %add3A_510 = arith.constant 4 : i32
      %add3A_511 = arith.addi %add3A_509, %add3A_510 : i32
      %lt3A_512 = arith.constant 32 : i32
      %lt3A_513 = arith.cmpi slt, %add3A_511, %lt3A_512 : i32
      %convert_element_type3A_514 = arith.extui %lt3A_513 : i1 to i32
      %cond3A_515 = arith.constant 0 : i32
      %cond3A_516 = arith.cmpi ne, %convert_element_type3A_514, %cond3A_515 : i32
      scf.if %cond3A_516 {
        %ge3A = arith.constant 8 : i32
        %ge3A_561 = arith.cmpi sge, %add3A_511, %ge3A : i32
        %convert_element_type3A_562 = arith.extui %ge3A_561 : i1 to i32
        %cond3A_563 = arith.constant 0 : i32
        %cond3A_564 = arith.cmpi ne, %convert_element_type3A_562, %cond3A_563 : i32
        scf.if %cond3A_564 {
        } else {
        }
        %dma_start3A_565 = arith.constant 192 : i32
        %dma_start3A_566 = arith.constant 0 : i32
        %dma_start3A_567 = tpu.memref_slice %arg7[%dma_start3A_565, %dma_start3A_566] : memref<512x128xf32, #tpu.memory_space<vmem>> -> memref<64x128xf32, #tpu.memory_space<vmem>>
        %dma_start3A_568 = arith.constant 0 : i32
        %dma_start3A_569 = tpu.memref_slice %arg6[%add3A_511, %dma_start3A_568] : memref<32x256xi32, #tpu.memory_space<vmem>> -> memref<1x64xi32, #tpu.memory_space<vmem>>
        %dma_start3A_570 = tpu.memref_squeeze %dma_start3A_569 : memref<1x64xi32, #tpu.memory_space<vmem>> -> memref<64xi32, #tpu.memory_space<vmem>>
        %dma_start3A_571 = arith.constant 0 : i32
        %dma_start3A_572 = arith.constant 0 : i32
        %dma_start3A_573 = tpu.memref_slice %arg3[%dma_start3A_571, %dma_start3A_572] : memref<100000x128xf32, #tpu.memory_space<hbm>> -> memref<100000x128xf32, #tpu.memory_space<hbm>>
        tpu.enqueue_indirect_dma source(%dma_start3A_573 : memref<100000x128xf32, #tpu.memory_space<hbm>>) target(%dma_start3A_567 : memref<64x128xf32, #tpu.memory_space<vmem>>) offsets(%dma_start3A_570 : memref<64xi32, #tpu.memory_space<vmem>>) semaphore(%arg11 : memref<!tpu.dma_semaphore, #tpu.memory_space<semaphore_mem>>)
      } else {
      }
      %add3A_517 = arith.constant 2 : i32
      %add3A_518 = arith.addi %add3A_509, %add3A_517 : i32
      %lt3A_519 = arith.constant 32 : i32
      %lt3A_520 = arith.cmpi slt, %add3A_518, %lt3A_519 : i32
      %convert_element_type3A_521 = arith.extui %lt3A_520 : i1 to i32
      %cond3A_522 = arith.constant 0 : i32
      %cond3A_523 = arith.cmpi ne, %convert_element_type3A_521, %cond3A_522 : i32
      scf.if %cond3A_523 {
        %dma_wait3A_561 = arith.constant 0 : i32
        %dma_wait3A_562 = arith.constant 64 : i32
        %dma_wait3A_563 = arith.constant 0 : i32
        %dma_wait3A_564 = tpu.memref_slice %arg7[%dma_wait3A_562, %dma_wait3A_563] : memref<512x128xf32, #tpu.memory_space<vmem>> -> memref<64x128xf32, #tpu.memory_space<vmem>>
        %dma_wait3A_565 = arith.constant 0 : i32
        %dma_wait3A_566 = tpu.memref_slice %arg6[%dma_wait3A_561, %dma_wait3A_565] : memref<32x256xi32, #tpu.memory_space<vmem>> -> memref<1x64xi32, #tpu.memory_space<vmem>>
        %dma_wait3A_567 = tpu.memref_squeeze %dma_wait3A_566 : memref<1x64xi32, #tpu.memory_space<vmem>> -> memref<64xi32, #tpu.memory_space<vmem>>
        %dma_wait3A_568 = arith.constant 0 : i32
        %dma_wait3A_569 = arith.constant 0 : i32
        %dma_wait3A_570 = tpu.memref_slice %arg3[%dma_wait3A_568, %dma_wait3A_569] : memref<100000x128xf32, #tpu.memory_space<hbm>> -> memref<100000x128xf32, #tpu.memory_space<hbm>>
        tpu.wait_indirect_dma semaphore(%arg9 : memref<!tpu.dma_semaphore, #tpu.memory_space<semaphore_mem>>) src(%dma_wait3A_570 : memref<100000x128xf32, #tpu.memory_space<hbm>>) dst(%dma_wait3A_564 : memref<64x128xf32, #tpu.memory_space<vmem>>)
        %dma_start3A_571 = arith.constant 64 : i32
        %dma_start3A_572 = arith.constant 0 : i32
        %dma_start3A_573 = tpu.memref_slice %arg7[%dma_start3A_571, %dma_start3A_572] : memref<512x128xf32, #tpu.memory_space<vmem>> -> memref<64x128xf32, #tpu.memory_space<vmem>>
        %dma_start3A_574 = arith.constant 64 : i32
        %dma_start3A_575 = tpu.memref_slice %arg6[%add3A_518, %dma_start3A_574] : memref<32x256xi32, #tpu.memory_space<vmem>> -> memref<1x64xi32, #tpu.memory_space<vmem>>
        %dma_start3A_576 = tpu.memref_squeeze %dma_start3A_575 : memref<1x64xi32, #tpu.memory_space<vmem>> -> memref<64xi32, #tpu.memory_space<vmem>>
        %dma_start3A_577 = arith.constant 0 : i32
        %dma_start3A_578 = arith.constant 0 : i32
        %dma_start3A_579 = tpu.memref_slice %arg3[%dma_start3A_577, %dma_start3A_578] : memref<100000x128xf32, #tpu.memory_space<hbm>> -> memref<100000x128xf32, #tpu.memory_space<hbm>>
        tpu.enqueue_indirect_dma source(%dma_start3A_579 : memref<100000x128xf32, #tpu.memory_space<hbm>>) target(%dma_start3A_573 : memref<64x128xf32, #tpu.memory_space<vmem>>) offsets(%dma_start3A_576 : memref<64xi32, #tpu.memory_space<vmem>>) semaphore(%arg9 : memref<!tpu.dma_semaphore, #tpu.memory_space<semaphore_mem>>) {add = true}
        %dma_start3A_580 = arith.constant 64 : i32
        %dma_start3A_581 = arith.constant 0 : i32
        %dma_start3A_582 = tpu.memref_slice %arg7[%dma_start3A_580, %dma_start3A_581] : memref<512x128xf32, #tpu.memory_space<vmem>> -> memref<64x128xf32, #tpu.memory_space<vmem>>
        %dma_start3A_583 = arith.constant 128 : i32
        %dma_start3A_584 = tpu.memref_slice %arg6[%add3A_518, %dma_start3A_583] : memref<32x256xi32, #tpu.memory_space<vmem>> -> memref<1x64xi32, #tpu.memory_space<vmem>>
        %dma_start3A_585 = tpu.memref_squeeze %dma_start3A_584 : memref<1x64xi32, #tpu.memory_space<vmem>> -> memref<64xi32, #tpu.memory_space<vmem>>
        %dma_start3A_586 = arith.constant 0 : i32
        %dma_start3A_587 = arith.constant 0 : i32
        %dma_start3A_588 = tpu.memref_slice %arg3[%dma_start3A_586, %dma_start3A_587] : memref<100000x128xf32, #tpu.memory_space<hbm>> -> memref<100000x128xf32, #tpu.memory_space<hbm>>
        tpu.enqueue_indirect_dma source(%dma_start3A_588 : memref<100000x128xf32, #tpu.memory_space<hbm>>) target(%dma_start3A_582 : memref<64x128xf32, #tpu.memory_space<vmem>>) offsets(%dma_start3A_585 : memref<64xi32, #tpu.memory_space<vmem>>) semaphore(%arg9 : memref<!tpu.dma_semaphore, #tpu.memory_space<semaphore_mem>>) {add = true}
      } else {
      }
      %dma_wait3A_524 = arith.constant 0 : i32
      %dma_wait3A_525 = arith.constant 448 : i32
      %dma_wait3A_526 = arith.constant 0 : i32
      %dma_wait3A_527 = tpu.memref_slice %arg7[%dma_wait3A_525, %dma_wait3A_526] : memref<512x128xf32, #tpu.memory_space<vmem>> -> memref<64x128xf32, #tpu.memory_space<vmem>>
      %dma_wait3A_528 = arith.constant 0 : i32
      %dma_wait3A_529 = tpu.memref_slice %arg6[%dma_wait3A_524, %dma_wait3A_528] : memref<32x256xi32, #tpu.memory_space<vmem>> -> memref<1x64xi32, #tpu.memory_space<vmem>>
      %dma_wait3A_530 = tpu.memref_squeeze %dma_wait3A_529 : memref<1x64xi32, #tpu.memory_space<vmem>> -> memref<64xi32, #tpu.memory_space<vmem>>
      %dma_wait3A_531 = arith.constant 0 : i32
      %dma_wait3A_532 = arith.constant 0 : i32
      %dma_wait3A_533 = tpu.memref_slice %arg3[%dma_wait3A_531, %dma_wait3A_532] : memref<100000x128xf32, #tpu.memory_space<hbm>> -> memref<100000x128xf32, #tpu.memory_space<hbm>>
      tpu.wait_indirect_dma semaphore(%arg15 : memref<!tpu.dma_semaphore, #tpu.memory_space<semaphore_mem>>) src(%dma_wait3A_533 : memref<100000x128xf32, #tpu.memory_space<hbm>>) dst(%dma_wait3A_527 : memref<64x128xf32, #tpu.memory_space<vmem>>)
      %dma_wait3A_534 = arith.constant 0 : i32
      %dma_wait3A_535 = arith.constant 448 : i32
      %dma_wait3A_536 = arith.constant 0 : i32
      %dma_wait3A_537 = tpu.memref_slice %arg7[%dma_wait3A_535, %dma_wait3A_536] : memref<512x128xf32, #tpu.memory_space<vmem>> -> memref<64x128xf32, #tpu.memory_space<vmem>>
      %dma_wait3A_538 = arith.constant 0 : i32
      %dma_wait3A_539 = tpu.memref_slice %arg6[%dma_wait3A_534, %dma_wait3A_538] : memref<32x256xi32, #tpu.memory_space<vmem>> -> memref<1x64xi32, #tpu.memory_space<vmem>>
      %dma_wait3A_540 = tpu.memref_squeeze %dma_wait3A_539 : memref<1x64xi32, #tpu.memory_space<vmem>> -> memref<64xi32, #tpu.memory_space<vmem>>
      %dma_wait3A_541 = arith.constant 0 : i32
      %dma_wait3A_542 = arith.constant 0 : i32
      %dma_wait3A_543 = tpu.memref_slice %arg3[%dma_wait3A_541, %dma_wait3A_542] : memref<100000x128xf32, #tpu.memory_space<hbm>> -> memref<100000x128xf32, #tpu.memory_space<hbm>>
      tpu.wait_indirect_dma semaphore(%arg15 : memref<!tpu.dma_semaphore, #tpu.memory_space<semaphore_mem>>) src(%dma_wait3A_543 : memref<100000x128xf32, #tpu.memory_space<hbm>>) dst(%dma_wait3A_537 : memref<64x128xf32, #tpu.memory_space<vmem>>)
      %add3A_544 = arith.addi %mul3A_2, %add3A_509 : i32
      %sub3A_545 = arith.constant 2 : i32
      %sub3A_546 = arith.subi %add3A_544, %sub3A_545 : i32
      %add3A_547 = arith.constant 1 : i32
      %add3A_548 = arith.addi %sub3A_546, %add3A_547 : i32
      %mul3A_549 = arith.constant 64 : i32
      %mul3A_550 = arith.muli %add3A_548, %mul3A_549 : i32
      %dma_start3A_551 = arith.constant 384 : i32
      %dma_start3A_552 = arith.constant 0 : i32
      %dma_start3A_553 = tpu.memref_slice %arg7[%dma_start3A_551, %dma_start3A_552] : memref<512x128xf32, #tpu.memory_space<vmem>> -> memref<128x128xf32, #tpu.memory_space<vmem>>
      %dma_start3A_554 = arith.constant 0 : i32
      %dma_start3A_555 = tpu.memref_slice %arg4[%mul3A_550, %dma_start3A_554] : memref<65536x128xf32, #tpu.memory_space<hbm>> -> memref<128x128xf32, #tpu.memory_space<hbm>>
      %dma_start3A_556 = arith.constant 0 : i32
      %dma_start3A_557 = tpu.memref_slice %arg4[%mul3A_550, %dma_start3A_556] : memref<65536x128xf32, #tpu.memory_space<hbm>> -> memref<128x128xf32, #tpu.memory_space<hbm>>
      %dma_start3A_558 = arith.constant 384 : i32
      %dma_start3A_559 = arith.constant 0 : i32
      %dma_start3A_560 = tpu.memref_slice %arg7[%dma_start3A_558, %dma_start3A_559] : memref<512x128xf32, #tpu.memory_space<vmem>> -> memref<128x128xf32, #tpu.memory_space<vmem>>
      tpu.enqueue_dma source(%dma_start3A_560 : memref<128x128xf32, #tpu.memory_space<vmem>>) target(%dma_start3A_557 : memref<128x128xf32, #tpu.memory_space<hbm>>) target_semaphore(%arg19 : memref<!tpu.dma_semaphore, #tpu.memory_space<semaphore_mem>>)
    }
    %scan3A_141 = arith.constant 4 : i32
    %dma_wait3A_142 = arith.constant 0 : i32
    %dma_wait3A_143 = arith.constant 0 : i32
    %dma_wait3A_144 = tpu.memref_slice %arg7[%dma_wait3A_142, %dma_wait3A_143] : memref<512x128xf32, #tpu.memory_space<vmem>> -> memref<128x128xf32, #tpu.memory_space<vmem>>
    %dma_wait3A_145 = arith.constant 0 : i32
    %dma_wait3A_146 = arith.constant 0 : i32
    %dma_wait3A_147 = tpu.memref_slice %arg4[%dma_wait3A_145, %dma_wait3A_146] : memref<65536x128xf32, #tpu.memory_space<hbm>> -> memref<128x128xf32, #tpu.memory_space<hbm>>
    %dma_wait3A_148 = arith.constant 0 : i32
    %dma_wait3A_149 = arith.constant 0 : i32
    %dma_wait3A_150 = tpu.memref_slice %arg4[%dma_wait3A_148, %dma_wait3A_149] : memref<65536x128xf32, #tpu.memory_space<hbm>> -> memref<128x128xf32, #tpu.memory_space<hbm>>
    %dma_wait3A_151 = arith.constant 0 : i32
    %dma_wait3A_152 = arith.constant 0 : i32
    %dma_wait3A_153 = tpu.memref_slice %arg7[%dma_wait3A_151, %dma_wait3A_152] : memref<512x128xf32, #tpu.memory_space<vmem>> -> memref<128x128xf32, #tpu.memory_space<vmem>>
    tpu.wait_dma2 semaphore(%arg16 : memref<!tpu.dma_semaphore, #tpu.memory_space<semaphore_mem>>) src(%dma_wait3A_153 : memref<128x128xf32, #tpu.memory_space<vmem>>) dst(%dma_wait3A_150 : memref<128x128xf32, #tpu.memory_space<hbm>>)
    %dma_wait3A_154 = arith.constant 0 : i32
    %dma_wait3A_155 = arith.constant 0 : i32
    %dma_wait3A_156 = tpu.memref_slice %arg7[%dma_wait3A_154, %dma_wait3A_155] : memref<512x128xf32, #tpu.memory_space<vmem>> -> memref<128x128xf32, #tpu.memory_space<vmem>>
    %dma_wait3A_157 = arith.constant 0 : i32
    %dma_wait3A_158 = arith.constant 0 : i32
    %dma_wait3A_159 = tpu.memref_slice %arg4[%dma_wait3A_157, %dma_wait3A_158] : memref<65536x128xf32, #tpu.memory_space<hbm>> -> memref<128x128xf32, #tpu.memory_space<hbm>>
    %dma_wait3A_160 = arith.constant 0 : i32
    %dma_wait3A_161 = arith.constant 0 : i32
    %dma_wait3A_162 = tpu.memref_slice %arg4[%dma_wait3A_160, %dma_wait3A_161] : memref<65536x128xf32, #tpu.memory_space<hbm>> -> memref<128x128xf32, #tpu.memory_space<hbm>>
    %dma_wait3A_163 = arith.constant 0 : i32
    %dma_wait3A_164 = arith.constant 0 : i32
    %dma_wait3A_165 = tpu.memref_slice %arg7[%dma_wait3A_163, %dma_wait3A_164] : memref<512x128xf32, #tpu.memory_space<vmem>> -> memref<128x128xf32, #tpu.memory_space<vmem>>
    tpu.wait_dma2 semaphore(%arg17 : memref<!tpu.dma_semaphore, #tpu.memory_space<semaphore_mem>>) src(%dma_wait3A_165 : memref<128x128xf32, #tpu.memory_space<vmem>>) dst(%dma_wait3A_162 : memref<128x128xf32, #tpu.memory_space<hbm>>)
    %dma_wait3A_166 = arith.constant 0 : i32
    %dma_wait3A_167 = arith.constant 0 : i32
    %dma_wait3A_168 = tpu.memref_slice %arg7[%dma_wait3A_166, %dma_wait3A_167] : memref<512x128xf32, #tpu.memory_space<vmem>> -> memref<128x128xf32, #tpu.memory_space<vmem>>
    %dma_wait3A_169 = arith.constant 0 : i32
    %dma_wait3A_170 = arith.constant 0 : i32
    %dma_wait3A_171 = tpu.memref_slice %arg4[%dma_wait3A_169, %dma_wait3A_170] : memref<65536x128xf32, #tpu.memory_space<hbm>> -> memref<128x128xf32, #tpu.memory_space<hbm>>
    %dma_wait3A_172 = arith.constant 0 : i32
    %dma_wait3A_173 = arith.constant 0 : i32
    %dma_wait3A_174 = tpu.memref_slice %arg4[%dma_wait3A_172, %dma_wait3A_173] : memref<65536x128xf32, #tpu.memory_space<hbm>> -> memref<128x128xf32, #tpu.memory_space<hbm>>
    %dma_wait3A_175 = arith.constant 0 : i32
    %dma_wait3A_176 = arith.constant 0 : i32
    %dma_wait3A_177 = tpu.memref_slice %arg7[%dma_wait3A_175, %dma_wait3A_176] : memref<512x128xf32, #tpu.memory_space<vmem>> -> memref<128x128xf32, #tpu.memory_space<vmem>>
    tpu.wait_dma2 semaphore(%arg18 : memref<!tpu.dma_semaphore, #tpu.memory_space<semaphore_mem>>) src(%dma_wait3A_177 : memref<128x128xf32, #tpu.memory_space<vmem>>) dst(%dma_wait3A_174 : memref<128x128xf32, #tpu.memory_space<hbm>>)
    %dma_wait3A_178 = arith.constant 0 : i32
    %dma_wait3A_179 = arith.constant 0 : i32
    %dma_wait3A_180 = tpu.memref_slice %arg7[%dma_wait3A_178, %dma_wait3A_179] : memref<512x128xf32, #tpu.memory_space<vmem>> -> memref<128x128xf32, #tpu.memory_space<vmem>>
    %dma_wait3A_181 = arith.constant 0 : i32
    %dma_wait3A_182 = arith.constant 0 : i32
    %dma_wait3A_183 = tpu.memref_slice %arg4[%dma_wait3A_181, %dma_wait3A_182] : memref<65536x128xf32, #tpu.memory_space<hbm>> -> memref<128x128xf32, #tpu.memory_space<hbm>>
    %dma_wait3A_184 = arith.constant 0 : i32
    %dma_wait3A_185 = arith.constant 0 : i32
    %dma_wait3A_186 = tpu.memref_slice %arg4[%dma_wait3A_184, %dma_wait3A_185] : memref<65536x128xf32, #tpu.memory_space<hbm>> -> memref<128x128xf32, #tpu.memory_space<hbm>>
    %dma_wait3A_187 = arith.constant 0 : i32
    %dma_wait3A_188 = arith.constant 0 : i32
    %dma_wait3A_189 = tpu.memref_slice %arg7[%dma_wait3A_187, %dma_wait3A_188] : memref<512x128xf32, #tpu.memory_space<vmem>> -> memref<128x128xf32, #tpu.memory_space<vmem>>
    tpu.wait_dma2 semaphore(%arg19 : memref<!tpu.dma_semaphore, #tpu.memory_space<semaphore_mem>>) src(%dma_wait3A_189 : memref<128x128xf32, #tpu.memory_space<vmem>>) dst(%dma_wait3A_186 : memref<128x128xf32, #tpu.memory_space<hbm>>)
    return
  }
}

</mosaic_0001>

<sc_bundles>
// kernel: kernel.3.cloned.1.call-start
scs
__scs_entry_jumppad:
0x0: {  	(pc) =	sbr.rel $0x88, $3  }
0x1: {  	(tag) =	ssettag $0x0;
	lr =	simm.s32 $0x1  }
0x2: {  	[smem:$0x3F9F] =	sst lr;
	_ =	strace $0xD0000000  }
0x3: {  	_ = 	snop  }
0x4: {  	_ = 	snop  }
0x5: {  	_ = 	snop  }
0x6: {  	_ = 	snop  }
0x7: {  	_ = 	snop  }
__scs_overlays_trampoline_lowered:
0x8: {  	[smem:$0x3FAE] =	sst s0  }
0x9: {  	[smem:$0x3FAF] =	sst s1  }
0xa: {  	[smem:$0x3FB0] =	sst s2  }
0xb: {  	[smem:$0x3FB1] =	sst s3  }
0xc: {  	[smem:$0x3FB2] =	sst s4  }
0xd: {  	[smem:$0x3FB3] =	sst s5  }
0xe: {  	[smem:$0x3FB4] =	sst s6  }
0xf: {  	[smem:$0x3FB5] =	sst s7  }
0x10: {  	[smem:$0x3FB6] =	sst s8  }
0x11: {  	[smem:$0x3FB7] =	sst s9;
	s0 =	simm.s32 @!p0 $0x0  }
0x12: {  	s1 =	sld [smem:$0x3F9D];
	s0 =	simm.s32 @p0 $0x1  }
0x13: {  	[smem:$0x3FB8] =	sst s0;
	s0 =	simm.s32 @!p1 $0x0  }
0x14: {  	s2 =	sld [smem:$0x3F9C];
	s0 =	simm.s32 @p1 $0x1  }
0x15: {  	[smem:$0x3FB9] =	sst s0;
	s0 =	simm.s32 @!p2 $0x0  }
0x16: {  	s3 =	sld [smem:$0x3FDB];
	s0 =	simm.s32 @p2 $0x1  }
0x17: {  	s4 =	simm.s32 $0x1BF5;
	[smem:$0x3FBB] =	sst s0  }
0x18: {  	s0 =	sld [smem:$0x3F9E];
	_ =	swait.ge [sflag:s4], $0x0  }
0x19: {  	s7 =	sld [smem:$0x3F9F]  }
0x1a: {  	s8 =	sadd.s32 $0xFFFFE003, lr  }
0x1b: {  	s9 =	sadd.s32 $0xFFFFFEF7, lr;
	s5 =	simm.s32 $0xFFFFFFFF;
	p2 =	slt.u32 s8, $0xFFFFF086  }
0x1c: {  	p1 =	slt.u32 s9, $0xF7A;
	s5 =	simm.s32 @!p2 $0x0  }
0x1d: {  	s5 =	simm.s32 @p1 $0x1;
	p0 =	seq.s32 s7, s2  }
0x1e: {  	s7 =	smul.u32 @!p0 $0xF7A, s2;
	p2 =	seq.s32 @!p0 s5, $0x0  }
0x1f: {  	s9 =	smul.u32 $0xF7A, s1;
	s8 =	simm.s32 @!p0 $0x1BF5;
	p2 =	por !p2, p0  }
0x20: {  	[sflag:s8] =	ssyncset.s32 @!p0 $0xFFFFF086;
	s6 =	sadd.s32 @!p0 s3, s7;
	s7 =	simm.s32 @!p0 $0x108  }
0x21: {  	s3 =	sadd.s32 s3, s9;
	s6 =	sadd.s32 @!p0 $0x88, s6;
	s7 =	simm.s32 @p2 $0x1082  }
0x22: {  	[simem:s7], [sflag:s8] =	dma.local @!p0 [hbm:s6], $0xF7A  }
0x23: {  	s9 =	sor.u32 $0xD0000000, s2;
	s6 =	simm.s32 $0x108;
	_ =	swait.ge @!p0 [sflag:s8], $0x0  }
0x24: {  	s3 =	sadd.s32 $0x88, s3;
	s6 =	simm.s32 @!p1 $0x1082;
	[sflag:s4] =	ssyncset.s32 $0xFFFFF086  }
0x25: {  	[simem:s6], [sflag:s4] =	dma.local [hbm:s3], $0xF7A  }
0x26: {  	[smem:$0x3F9F] =	sst s1;
	(tag) =	ssettag s2;
	_ =	strace s9  }
0x27: {  	s1 =	sld [smem:$0x3FAF]  }
0x28: {  	s2 =	sld [smem:$0x3FB0]  }
0x29: {  	s4 =	sld [smem:$0x3FB2]  }
0x2a: {  	p0 =	seq.s32 s5, $0x0;
	s5 =	sld [smem:$0x3FB3]  }
0x2b: {  	s6 =	sld [smem:$0x3FB4]  }
0x2c: {  	s7 =	sld [smem:$0x3FB5]  }
0x2d: {  	s3 =	simm.s32 $0x108;
	s8 =	sld [smem:$0x3FB6]  }
0x2e: {  	s3 =	simm.s32 @!p0 $0x1082;
	s9 =	sld [smem:$0x3FB7]  }
0x2f: {  	lr =	sadd.s32 s0, s3;
	s0 =	sld [smem:$0x3FAE]  }
0x30: {  	s3 =	sld [smem:$0x3FB1]  }
0x31: {  	[smem:$0x3FBA] =	sst s10  }
0x32: {  	s10 =	sld [smem:$0x3FB8];
	_ =	sdelay $0x3  }
0x33: {  	p0 =	seq.s32 s10, $0x1;
	s10 =	sld [smem:$0x3FBA];
	_ =	sdelay $0x3  }
0x34: {  	[smem:$0x3FBA] =	sst s10  }
0x35: {  	s10 =	sld [smem:$0x3FB9];
	_ =	sdelay $0x3  }
0x36: {  	p1 =	seq.s32 s10, $0x1;
	s10 =	sld [smem:$0x3FBA];
	_ =	sdelay $0x3  }
0x37: {  	[smem:$0x3FBA] =	sst s10  }
0x38: {  	s10 =	sld [smem:$0x3FBB]  }
0x39: {  	_ = 	snop;
	(pc) =	sbr.ind lr, $3  }
0x3a: {  	_ = 	snop  }
0x3b: {  	_ = 	snop  }
0x3c: {  	p2 =	seq.s32 s10, $0x1;
	s10 =	sld [smem:$0x3FBA]  }
0x3d: {  	_ =	shalt  }
0x3e: {  	_ =	shalt  }
0x3f: {  	_ =	shalt  }
0x40: {  	_ =	shalt  }
0x41: {  	_ =	shalt  }
0x42: {  	_ =	shalt  }
0x43: {  	_ =	shalt  }
0x44: {  	_ =	shalt  }
0x45: {  	_ =	shalt  }
0x46: {  	_ =	shalt  }
0x47: {  	_ =	shalt  }
0x48: {  	_ =	shalt  }
0x49: {  	_ =	shalt  }
0x4a: {  	_ =	shalt  }
0x4b: {  	_ =	shalt  }
0x4c: {  	_ =	shalt  }
0x4d: {  	_ =	shalt  }
0x4e: {  	_ =	shalt  }
0x4f: {  	_ =	shalt  }
0x50: {  	_ =	shalt  }
0x51: {  	_ =	shalt  }
0x52: {  	_ =	shalt  }
0x53: {  	_ =	shalt  }
0x54: {  	_ =	shalt  }
0x55: {  	_ =	shalt  }
0x56: {  	_ =	shalt  }
0x57: {  	_ =	shalt  }
0x58: {  	_ =	shalt  }
0x59: {  	_ =	shalt  }
0x5a: {  	_ =	shalt  }
0x5b: {  	_ =	shalt  }
0x5c: {  	_ =	shalt  }
0x5d: {  	_ =	shalt  }
0x5e: {  	_ =	shalt  }
0x5f: {  	_ =	shalt  }
0x60: {  	_ =	shalt  }
0x61: {  	_ =	shalt  }
0x62: {  	_ =	shalt  }
0x63: {  	_ =	shalt  }
0x64: {  	_ =	shalt  }
0x65: {  	_ =	shalt  }
0x66: {  	_ =	shalt  }
0x67: {  	_ =	shalt  }
0x68: {  	_ =	shalt  }
0x69: {  	_ =	shalt  }
0x6a: {  	_ =	shalt  }
0x6b: {  	_ =	shalt  }
0x6c: {  	_ =	shalt  }
0x6d: {  	_ =	shalt  }
0x6e: {  	_ =	shalt  }
0x6f: {  	_ =	shalt  }
0x70: {  	_ =	shalt  }
0x71: {  	_ =	shalt  }
0x72: {  	_ =	shalt  }
0x73: {  	_ =	shalt  }
0x74: {  	_ =	shalt  }
0x75: {  	_ =	shalt  }
0x76: {  	_ =	shalt  }
0x77: {  	_ =	shalt  }
0x78: {  	_ =	shalt  }
0x79: {  	_ =	shalt  }
0x7a: {  	_ =	shalt  }
0x7b: {  	_ =	shalt  }
0x7c: {  	_ =	shalt  }
0x7d: {  	_ =	shalt  }
0x7e: {  	_ =	shalt  }
0x7f: {  	_ =	shalt  }
0x80: {  	_ =	shalt  }
0x81: {  	_ =	shalt  }
0x82: {  	_ =	shalt  }
0x83: {  	_ =	shalt  }
0x84: {  	_ =	shalt  }
0x85: {  	_ =	shalt  }
0x86: {  	_ =	shalt  }
0x87: {  	_ =	shalt  }
.Lfunc_end0:
.L_simem_size_0:
called_computation_lowered:
.L_overlay_start_0:
0x88: {  	s2 =	sld [smem:$0x3FD9]  }
0x89: {  	s3 =	sld [smem:$0x3FFE];
	_ =	sdelay $0x1  }
0x8a: {  	s1 =	srdreg.scid  }
0x8b: {  	s0 =	sand.u32 $0x1, s1  }
0x8c: {  	s18 =	sshll.u32 s0, $0xA;
	s2 =	sadd.s32 s3, s2  }
0x8d: {  	s2 =	sadd.s32 s2, s18  }
0x8e: {  	[smem:$0x3FC6] =	sst s2  }
0x8f: {  	_ = 	snop  }
0x90: {  	s2 =	sld [smem:$0x3FC9]  }
0x91: {  	s19 =	sld [smem:$0x3FC8]  }
0x92: {  	s4 =	sld [smem:$0x3FD0];
	(tm) =	ssettm $0x1  }
0x93: {  	s5 =	sld [smem:$0x3FFB];
	_ =	sdelay $0x3  }
0x94: {  	_ =	strace s5  }
0x95: {  	s5 =	sld [smem:$0x3FFC];
	_ =	sdelay $0x3  }
0x96: {  	_ =	strace s5  }
0x97: {  	s5 =	sld [smem:$0x3FFD];
	_ =	sdelay $0x3  }
0x98: {  	_ =	strace s5  }
0x99: {  	_ =	strace $0x8FFFFFFF  }
0x9a: {  	s20 =	sld [smem:$0x3FDB];
	_ =	sdelay $0x1  }
0x9b: {  	s6 =	simm.s32 $_scs_section_size  }
0x9c: {  	s7 =	simm.s32 $_size__tile_overlayer_lowered;
	s8 =	simm.s32 $_tile_overlayer_lowered  }
0x9d: {  	s23 =	simm.s32 $0x1BFF;
	s22 =	sshll.u32 s8, $0x1;
	s5 =	sadd.s32 s6, s20  }
0x9e: {  	s9 =	simm.s32 $0x0;
	s21 =	sshll.u32 s7, $0x1;
	s7 =	sadd.s32 s22, s5  }
0x9f: {  	[timem:s9], [sflag:s23] =	dma.local [hbm:s7], s21  }
0xa0: {  	_ =	swait.ge [sflag:s23], s21  }
0xa1: {  	s6 =	ssub.s32 $0x0, s21;
	[sflag:s23] =	ssyncset.done $0x0  }
0xa2: {  	[sflag:s23] =	ssyncadd.s32 s6;
	_ =	sdelay $0x1  }
0xa3: {  	s24 =	simm.s32 $0x1B8B  }
0xa4: {  	_ =	swait.ge [sflag:s24], $0x1  }
0xa5: {  	[sflag:s24] =	ssyncset.done $0x0  }
0xa6: {  	s25 =	simm.s32 $0x1B8E;
	[sflag:s24] =	ssyncadd.s32 $0xFFFFFFFF  }
0xa7: {  	s26 =	simm.s32 $execute0_lowered;
	[smem:$0x3FD2] =	sst s25  }
0xa8: {  	s6 =	sshll.u32 s26, $0x1;
	_ =	strace $0x80000046;
	[dreg:$0x1] =	wrdreg $0xFFFFFFFF  }
0xa9: {  	s28 =	simm.s32 $_size_execute0_lowered;
	s5 =	sadd.s32 s5, s6;
	[dreg:$0x0] =	wrdreg $0x0  }
0xaa: {  	s6 =	sshll.u32 s28, $0x1;
	[dreg:$0x2] =	wrdreg s5  }
0xab: {  	[dreg:$0x3] =	wrdreg s6  }
0xac: {  	[dreg:$0x4] =	wrdreg $0xC0  }
0xad: {  	_ =	task [dreg:s9], $0x5FFFF  }
0xae: {  	[dreg:$0x1] =	wrdreg $0xFFFFFFFF  }
0xaf: {  	[dreg:$0x0] =	wrdreg $0x60  }
0xb0: {  	[dreg:$0x2] =	wrdreg s2  }
0xb1: {  	[dreg:$0x3] =	wrdreg s19  }
0xb2: {  	[dreg:$0x4] =	wrdreg s4  }
0xb3: {  	[dreg:$0x5] =	wrdreg $0x9  }
0xb4: {  	_ =	task.clear_ibuf [dreg:s9], $0x6FFFF;
	_ =	strace $0x90000046  }
0xb5: {  	s29 =	simm.s32 $0x9;
	_ =	strace $0x80000048  }
0xb6: {  	_ =	swait.ge [sflag:s29], $0x1  }
0xb7: {  	[sflag:s29] =	ssyncadd.s32 $0xFFFFFFFF  }
0xb8: {  	_ =	strace $0x90000048  }
0xb9: {  	_ =	sfence  }
0xba: {  	s30 =	sld [smem:$0x0];
	_ =	sdelay $0x2  }
0xbb: {  	s31 =	sshll.u32 s1, $0xD;
	s1 =	sshrl.u32 s1, $0x2  }
0xbc: {  	s3 =	sand.u32 $0x4000, s31;
	s1 =	sadd.s32 s1, s30  }
0xbd: {  	s0 =	sor.u32 s3, s0;
	s1 =	sshll.u32 s1, $0x11  }
0xbe: {  	s0 =	sor.u32 s1, s0  }
0xbf: {  	s0 =	sadd.s32 $0x8F2B, s0  }
0xc0: {  	[sflag:s0] =	ssyncadd.remote.s32 $0x1  }
0xc1: {  	_ =	sfence.sel $0xFFFF  }
0xc2: {  	[dreg:$0x0] =	wrdreg $0xFFFFFFFF;
	(pc) =	sbr.abs _section_cstart, $3  }
0xc3: {  	[dreg:$0x1] =	wrdreg $0xFFFFFFFF  }
0xc4: {  	_ =	task.clear_ibuf [dreg:s9], $0x2FFFF;
	_ =	strace $0x9FFFFFFF  }
0xc5: {  	(tm) =	ssettm $0x7FFFFFFF  }
tec
execute0_lowered:
.L_overlay_start_1:
0x0: {  	(tag) =	ssettag $0x1  }
0x1: {  	s0 =	rddreg [dreg:$0x0]  }
0x2: {  	s1 =	rddreg [dreg:$0x1]  }
0x3: {  	s3 =	rddreg [dreg:$0x2];
	s4 =	srdreg.scid;
	s2 =	simm.s32 $0x0  }
0x4: {  	s8 =	stileid.u32;
	s10 =	simm.s32 $0x6000;
	s11 =	simm.s32 $0x40  }
0x5: {  	s14 =	simm.s32 $0x8000;
	s15 =	simm.s32 $0xE000;
	s28 =	simm.s32 $0x12000  }
0x6: {  	v0 =	vimm.s32 $0xB80;
	vm0 =	vcmask $0x300;
	v1 =	vimm.s32 $0x1B80;
	s29 =	simm.s32 $0x4;
	s30 =	simm.s32 $0x14000;
	s31 =	simm.s32 $0x5  }
0x7: {  	vm1 =	vcmask $0x704;
	s4 =	sand.u32 $0x1, s4;
	[smem:$0x7FF] =	sst s2;
	s7 =	sshll.u32 s8, $0x6;
	v0 =	vsel vm0, $0x0, v0;
	v1 =	vsel vm0, $0x1000, v1  }
0x8: {  	vm15 =	vcmask $0xB08;
	s8 =	sshll.u32 s8, $0x13;
	s5 =	ssub.s32 $0x2, s4;
	_ =	strace $0x80000047;
	v0 =	vsel vm1, $0x80, v0;
	v1 =	vsel vm1, $0x1080, v1  }
0x9: {  	vm4 =	vcmask $0xF0C;
	s9 =	sshll.u32 s4, $0x12;
	s16 =	sand.u32 $0x380, s7;
	s4 =	sshll.u32 s4, $0x5;
	v0 =	vsel vm15, $0x100, v0;
	v1 =	vsel vm15, $0x1100, v1  }
0xa: {  	vm5 =	vcmask $0x1310;
	s6 =	sshrl.u32 s5, $0x1;
	s8 =	sor.u32 s9, s8;
	s0 =	sadd.s32 s0, s16;
	v0 =	vsel vm4, $0x180, v0;
	v1 =	vsel vm4, $0x1180, v1  }
0xb: {  	vm6 =	vcmask $0x1714;
	s4 =	sor.u32 s4, s7;
	s16 =	simm.s32 $0xC000;
	s7 =	simm.s32 $0x7;
	v0 =	vsel vm5, $0x200, v0;
	v1 =	vsel vm5, $0x1200, v1  }
0xc: {  	vm7 =	vcmask $0x1B18;
	s5 =	ssub.s32 s5, s6;
	[dreg:$0x8] =	wrdreg s0;
	s17 =	sor.u32 $0xC000, s8;
	v0 =	vsel vm6, $0x280, v0;
	v1 =	vsel vm6, $0x1280, v1  }
0xd: {  	vm8 =	vcmask $0x1F1C;
	s18 =	sor.u32 $0x4000, s8;
	s19 =	sor.u32 $0x8000, s8;
	s23 =	sshrl.u32 s8, $0x3;
	v0 =	vsel vm7, $0x300, v0;
	v1 =	vsel vm7, $0x1300, v1  }
0xe: {  	vm9 =	vcmask $0x2320;
	s4 =	sand.u32 $0x60, s4;
	s8 =	simm.s32 $0x8;
	s0 =	sshrl.u32 s17, $0x3;
	v0 =	vsel vm8, $0x380, v0;
	v1 =	vsel vm8, $0x1380, v1  }
0xf: {  	vm10 =	vcmask $0x2724;
	s6 =	sshrl.u32 s18, $0x3;
	s21 =	sshrl.u32 s19, $0x3;
	s25 =	smax.u32 s5, $0x1;
	v0 =	vsel vm9, $0x800, v0;
	v1 =	vsel vm9, $0x1800, v1  }
0x10: {  	vm11 =	vcmask $0x2B28;
	s24 =	sadd.s32 s23, s3;
	s26 =	sor.u32 $0x80, s4;
	[dreg:$0x9] =	wrdreg s25;
	v0 =	vsel vm10, $0x880, v0;
	v1 =	vsel vm10, $0x1880, v1  }
0x11: {  	vm12 =	vcmask $0x2F2C;
	s19 =	simm.s32 $0x1;
	s0 =	sadd.s32 s0, s3;
	[dreg:$0xa] =	wrdreg s26;
	v0 =	vsel vm11, $0x900, v0;
	v1 =	vsel vm11, $0x1900, v1  }
0x12: {  	vm13 =	vcmask $0x3330;
	s20 =	sadd.s32 s6, s3;
	s22 =	sadd.s32 s21, s3;
	[dreg:$0x7] =	wrdreg s24;
	v0 =	vsel vm12, $0x980, v0;
	v1 =	vsel vm12, $0x1980, v1  }
0x13: {  	vm14 =	vcmask $0x3734;
	s25 =	simm.s32 $0x10000;
	s26 =	simm.s32 $0x3;
	[dreg:$0x4] =	wrdreg s0;
	v0 =	vsel vm13, $0xA00, v0;
	v1 =	vsel vm13, $0x1A00, v1  }
0x14: {  	vm15 =	vcmask $0x3B38;
	s3 =	simm.s32 $0x6;
	s6 =	simm.s32 $0x0;
	[dreg:$0x5] =	wrdreg s20;
	v0 =	vsel vm14, $0xA80, v0;
	v1 =	vsel vm14, $0x1A80, v1  }
0x15: {  	[dreg:$0x6] =	wrdreg s22;
	s22 =	simm.s32 $0x2;
	s0 =	simm.s32 $0x16000;
	v0 =	vsel vm15, $0xB00, v0;
	v1 =	vsel vm15, $0x1B00, v1  }
.LBB2_1:
0x16: {  	[dreg:$0xb] =	wrdreg s6  }
0x17: {  	s4 =	simm.s32 $0x1;
	s5 =	rddreg [dreg:$0x8]  }
0x18: {  	s13 =	simm.s32 $0x400;
	s9 =	simm.s32 $0x2000;
	s17 =	simm.s32 $0xD;
	v2 =	vmov s4  }
0x19: {  	[tilespmem:s2], [sflag:$0xD] =	stream.strided.gather [hbm4b:s5+s13], $0x6000, s9, s13, $0x38;
	v3 =	vshll.u32 v2, $0x3;
	[tilespmem:$0x18000] =	vst v63  }
0x1a: {  	_ =	swait.ge [sflag:s17], $0x6000;
	v2 =	vand.u32 $0x7F, v2;
	v3 =	vand.u32 $0x400, v3  }
0x1b: {  	s20 =	simm.s32 $0x3;
	[sflag:s17] =	ssyncset.done $0x0;
	v3 =	vor.u32 v2, v3;
	v2 =	vmov s2  }
0x1c: {  	v7 =	vmov s20;
	s18 =	rddreg [dreg:$0xa];
	[sflag:s17] =	ssyncadd.s32 $0xFFFFA000;
	v6 =	vshll.u32 v2, $0x3  }
0x1d: {  	v4 =	vld [tilespmem:s18+$0x0];
	v5 =	vor.u32 v0, v3;
	v2 =	vand.u32 $0x7E, v2;
	v6 =	vand.u32 $0x400, v6  }
0x1e: {  	v8 =	vshll.u32 v7, $0x3;
	v9 =	vor.u32 v2, v6  }
0x1f: {  	s21 =	simm.s32 $0x2;
	v2 =	vand.u32 $0x7F, v7;
	v6 =	vand.u32 $0x400, v8;
	v7 =	vld [tilespmem:s18+$0xFFFFFF80];
	v8 =	vor.u32 v0, v9  }
0x20: {  	v10 =	vmov s21  }
0x21: {  	s4 =	sadd.s32 $0x100, s18;
	v2 =	vor.u32 v2, v6;
	v6 =	vshll.u32 v10, $0x3  }
0x22: {  	s23 =	simm.s32 $0x5;
	v11 =	vld [tilespmem:s4+$0x0];
	v12 =	vor.u32 v0, v2;
	[tilespmem:v5+s10+$0x0] =	vst.idx.msk $0xffff, v4;
	v4 =	vand.u32 $0x7E, v10;
	v5 =	vand.u32 $0x400, v6  }
0x23: {  	v14 =	vor.u32 v1, v3;
	v13 =	vld [tilespmem:s18+$0x10];
	v3 =	vor.u32 v4, v5;
	v4 =	vmov s23  }
0x24: {  	v6 =	vor.u32 v0, v3;
	v5 =	vshll.u32 v4, $0x3;
	[tilespmem:v8+s10+$0x0] =	vst.idx.msk $0xffff, v7;
	v7 =	vld [tilespmem:s4+$0xFFFFFF80]  }
0x25: {  	s24 =	simm.s32 $0x4;
	v10 =	vand.u32 $0x7F, v4;
	v15 =	vand.u32 $0x400, v5;
	v5 =	vor.u32 v1, v9;
	v4 =	vld [tilespmem:s18+$0xFFFFFF90]  }
0x26: {  	v8 =	vmov s24  }
0x27: {  	s5 =	sadd.s32 $0x100, s4;
	v9 =	vshll.u32 v8, $0x3;
	v10 =	vor.u32 v10, v15;
	[tilespmem:v12+s10+$0x0] =	vst.idx.msk $0xffff, v11  }
0x28: {  	s6 =	simm.s32 $0x6;
	v11 =	vand.u32 $0x7E, v8;
	v8 =	vld [tilespmem:s5+$0x0];
	v12 =	vand.u32 $0x400, v9;
	v9 =	vor.u32 v0, v10;
	[tilespmem:v14+s10+$0x0] =	vst.idx.msk $0xffff, v13  }
.LBB2_2:
0x29: {  	s9 =	sadd.s32 $0x1, s6;
	v11 =	vor.u32 v11, v12;
	[tilespmem:v6+s10+$0x0] =	vst.idx.msk $0xffff, v7;
	v13 =	vld [tilespmem:s4+$0x10];
	v14 =	vor.u32 v1, v2;
	v2 =	vmov v10;
	s12 =	smov.u32 s6;
	p0 =	slt.u32 s6, $0xBE  }
.Ltmp0:
0x2a: {  	s6 =	sadd.s32 $0x2, s6;
	v10 =	vmov s9;
	v7 =	vld [tilespmem:s5+$0xFFFFFF80];
	v6 =	vor.u32 v0, v11;
	[tilespmem:v5+s10+$0x0] =	vst.idx.msk $0xffff, v4;
	(pc) =	sbr.rel @p0 .LBB2_2-.Ltmp0, $4  }
0x2b: {  	v5 =	vor.u32 v1, v3;
	v3 =	vmov v11;
	v12 =	vshll.u32 v10, $0x3;
	v4 =	vld [tilespmem:s4+$0xFFFFFF90];
	s4 =	smov.u32 s5  }
0x2c: {  	v11 =	vmov s12;
	v10 =	vand.u32 $0x7F, v10;
	v12 =	vand.u32 $0x400, v12  }
0x2d: {  	v15 =	vshll.u32 v11, $0x3;
	s5 =	sadd.s32 $0x100, s5;
	v10 =	vor.u32 v10, v12;
	[tilespmem:v9+s10+$0x0] =	vst.idx.msk $0xffff, v8  }
0x2e: {  	v11 =	vand.u32 $0x7E, v11;
	v12 =	vand.u32 $0x400, v15;
	v8 =	vld [tilespmem:s5+$0x0];
	v9 =	vor.u32 v0, v10;
	[tilespmem:v14+s10+$0x0] =	vst.idx.msk $0xffff, v13  }
0x2f: {  	v11 =	vor.u32 v11, v12  }
0x30: {  	v60 =	vld [tilespmem:s5+$0xFFFFFF80];
	v13 =	vor.u32 v0, v11;
	_ =	sdelay $0x2  }
0x31: {  	[tilespmem:v6+s10+$0x0] =	vst.idx.msk $0xffff, v7;
	v61 =	vld [tilespmem:s4+$0x10];
	v2 =	vor.u32 v1, v2  }
0x32: {  	v3 =	vor.u32 v1, v3;
	v7 =	vld [tilespmem:s4+$0xFFFFFF90];
	[tilespmem:v9+s10+$0x0] =	vst.idx.msk $0xffff, v8  }
0x33: {  	v62 =	vor.u32 v1, v10;
	v8 =	vld [tilespmem:s5+$0x10];
	[tilespmem:v13+s10+$0x0] =	vst.idx.msk $0xffff, v60  }
0x34: {  	v11 =	vor.u32 v1, v11;
	v63 =	vld [tilespmem:s5+$0xFFFFFF90]  }
0x35: {  	[tilespmem:v5+s10+$0x0] =	vst.idx.msk $0xffff, v4  }
0x36: {  	[tilespmem:v2+s10+$0x0] =	vst.idx.msk $0xffff, v61  }
0x37: {  	[tilespmem:v3+s10+$0x0] =	vst.idx.msk $0xffff, v7  }
0x38: {  	[tilespmem:v62+s10+$0x0] =	vst.idx.msk $0xffff, v8  }
0x39: {  	[tilespmem:v11+s10+$0x0] =	vst.idx.msk $0xffff, v63  }
0x3a: {  	[tilespmem:s14], [sflag:$0x1] =	stream.indirect.gather [hbm4b:s1+s11], $0x80, s10, s11, $0xb8;
	[tilespmem:$0x18000] =	vst v63  }
0x3b: {  	s17 =	simm.s32 $0x6080;
	s18 =	simm.s32 $0xA000  }
0x3c: {  	[tilespmem:s18], [sflag:$0x2] =	stream.indirect.gather [hbm4b:s1+s11], $0x80, s17, s11, $0xb8;
	[tilespmem:$0x18000] =	vst v63  }
0x3d: {  	s20 =	simm.s32 $0x6100  }
0x3e: {  	[tilespmem:s16], [sflag:$0x3] =	stream.indirect.gather [hbm4b:s1+s11], $0x80, s20, s11, $0xb8;
	[tilespmem:$0x18000] =	vst v63  }
0x3f: {  	s21 =	simm.s32 $0x6180  }
0x40: {  	[tilespmem:s15], [sflag:$0x4] =	stream.indirect.gather [hbm4b:s1+s11], $0x80, s21, s11, $0xb8;
	[tilespmem:$0x18000] =	vst v63  }
0x41: {  	_ =	swait.ge [sflag:s19], $0x2000  }
0x42: {  	[sflag:s19] =	ssyncset.done $0x0  }
0x43: {  	s23 =	simm.s32 $0x6040;
	[sflag:s19] =	ssyncadd.s32 $0xFFFFE000  }
0x44: {  	[tilespmem:s14], [sflag:$0x1] =	stream.indirect.gather.add.f32 [hbm:s1], $0x80, s23, s11, $0xb8;
	[tilespmem:$0x18000] =	vst v63  }
0x45: {  	s24 =	simm.s32 $0x6400  }
0x46: {  	[tilespmem:s14], [sflag:$0x1] =	stream.indirect.gather.add.f32 [hbm:s1], $0x80, s24, s11, $0xb8;
	[tilespmem:$0x18000] =	vst v63  }
0x47: {  	_ =	swait.ge [sflag:s22], $0x2000  }
0x48: {  	[sflag:s22] =	ssyncset.done $0x0  }
0x49: {  	s6 =	simm.s32 $0x60C0;
	p0 =	por $0x1, $0x1;
	[sflag:s22] =	ssyncadd.s32 $0xFFFFE000  }
0x4a: {  	[tilespmem:s18], [sflag:$0x2] =	stream.indirect.gather.add.f32 [hbm:s1], $0x80, s6, s11, $0xb8;
	[tilespmem:$0x18000] =	vst v63  }
0x4b: {  	s9 =	simm.s32 $0x6480;
	s4 =	simm.s32 @!p0 $0xB  }
0x4c: {  	[tilespmem:s18], [sflag:$0x2] =	stream.indirect.gather.add.f32 [hbm:s1], $0x80, s9, s11, $0xb8;
	[tilespmem:$0x18000] =	vst v63  }
0x4d: {  	_ =	swait.ge @!p0 [sflag:s4], $0x4000  }
0x4e: {  	[sflag:s4] =	ssyncset.done @!p0 $0x0  }
0x4f: {  	s12 =	simm.s32 $0x6200;
	[sflag:s4] =	ssyncadd.s32 @!p0 $0xFFFFC000  }
0x50: {  	[tilespmem:s25], [sflag:$0x5] =	stream.indirect.gather [hbm4b:s1+s11], $0x80, s12, s11, $0xb8;
	[tilespmem:$0x18000] =	vst v63  }
0x51: {  	_ =	swait.ge [sflag:s26], $0x2000  }
0x52: {  	[sflag:s26] =	ssyncset.done $0x0  }
0x53: {  	s13 =	simm.s32 $0x6140;
	[sflag:s26] =	ssyncadd.s32 $0xFFFFE000  }
0x54: {  	[tilespmem:s16], [sflag:$0x3] =	stream.indirect.gather.add.f32 [hbm:s1], $0x80, s13, s11, $0xb8;
	[tilespmem:$0x18000] =	vst v63  }
0x55: {  	s17 =	simm.s32 $0x6500  }
0x56: {  	[tilespmem:s16], [sflag:$0x3] =	stream.indirect.gather.add.f32 [hbm:s1], $0x80, s17, s11, $0xb8;
	[tilespmem:$0x18000] =	vst v63  }
0x57: {  	_ =	swait.ge [sflag:s19], $0x2000  }
0x58: {  	[sflag:s19] =	ssyncset.done $0x0  }
0x59: {  	[sflag:s19] =	ssyncadd.s32 $0xFFFFE000  }
0x5a: {  	_ =	swait.ge [sflag:s19], $0x2000  }
0x5b: {  	[sflag:s19] =	ssyncset.done $0x0  }
0x5c: {  	s18 =	simm.s32 $0x6280;
	[sflag:s19] =	ssyncadd.s32 $0xFFFFE000  }
0x5d: {  	[tilespmem:s28], [sflag:$0x6] =	stream.indirect.gather [hbm4b:s1+s11], $0x80, s18, s11, $0xb8;
	[tilespmem:$0x18000] =	vst v63  }
0x5e: {  	_ =	swait.ge [sflag:s29], $0x2000  }
0x5f: {  	[sflag:s29] =	ssyncset.done $0x0  }
0x60: {  	s20 =	simm.s32 $0x61C0;
	[sflag:s29] =	ssyncadd.s32 $0xFFFFE000  }
0x61: {  	[tilespmem:s15], [sflag:$0x4] =	stream.indirect.gather.add.f32 [hbm:s1], $0x80, s20, s11, $0xb8;
	[tilespmem:$0x18000] =	vst v63  }
0x62: {  	s21 =	simm.s32 $0x6580  }
0x63: {  	[tilespmem:s15], [sflag:$0x4] =	stream.indirect.gather.add.f32 [hbm:s1], $0x80, s21, s11, $0xb8;
	[tilespmem:$0x18000] =	vst v63  }
0x64: {  	_ =	swait.ge [sflag:s22], $0x2000  }
0x65: {  	[sflag:s22] =	ssyncset.done $0x0  }
0x66: {  	[sflag:s22] =	ssyncadd.s32 $0xFFFFE000  }
0x67: {  	_ =	swait.ge [sflag:s22], $0x2000  }
0x68: {  	s23 =	rddreg [dreg:$0x7];
	[sflag:s22] =	ssyncset.done $0x0  }
0x69: {  	s5 =	simm.s32 @!p0 $0xC;
	[sflag:s22] =	ssyncadd.s32 $0xFFFFE000;
	s4 =	sadd.s32 $0x0, s23  }
0x6a: {  	[hbm4b:s4+s2] =	stream.linear.scatter [tilespmem:s14], [sflag:$0x9], $0x4000, $0x38;
	[tilespmem:$0x18000] =	vst v63  }
0x6b: {  	_ =	swait.ge @!p0 [sflag:s5], $0x4000  }
0x6c: {  	[sflag:s5] =	ssyncset.done @!p0 $0x0  }
0x6d: {  	s24 =	simm.s32 $0x6300;
	[sflag:s5] =	ssyncadd.s32 @!p0 $0xFFFFC000  }
0x6e: {  	[tilespmem:s30], [sflag:$0x7] =	stream.indirect.gather [hbm4b:s1+s11], $0x80, s24, s11, $0xb8;
	[tilespmem:$0x18000] =	vst v63  }
0x6f: {  	_ =	swait.ge [sflag:s31], $0x2000  }
0x70: {  	[sflag:s31] =	ssyncset.done $0x0  }
0x71: {  	s5 =	simm.s32 $0x6240;
	[sflag:s31] =	ssyncadd.s32 $0xFFFFE000  }
0x72: {  	[tilespmem:s25], [sflag:$0x5] =	stream.indirect.gather.add.f32 [hbm:s1], $0x80, s5, s11, $0xb8;
	[tilespmem:$0x18000] =	vst v63  }
0x73: {  	s6 =	simm.s32 $0x6600  }
0x74: {  	[tilespmem:s25], [sflag:$0x5] =	stream.indirect.gather.add.f32 [hbm:s1], $0x80, s6, s11, $0xb8;
	[tilespmem:$0x18000] =	vst v63  }
0x75: {  	_ =	swait.ge [sflag:s26], $0x2000  }
0x76: {  	[sflag:s26] =	ssyncset.done $0x0  }
0x77: {  	[sflag:s26] =	ssyncadd.s32 $0xFFFFE000  }
0x78: {  	_ =	swait.ge [sflag:s26], $0x2000  }
0x79: {  	[sflag:s26] =	ssyncset.done $0x0  }
0x7a: {  	s9 =	simm.s32 $0x6380;
	[sflag:s26] =	ssyncadd.s32 $0xFFFFE000  }
0x7b: {  	[tilespmem:s0], [sflag:$0x8] =	stream.indirect.gather [hbm4b:s1+s11], $0x80, s9, s11, $0xb8;
	[tilespmem:$0x18000] =	vst v63  }
0x7c: {  	_ =	swait.ge [sflag:s3], $0x2000  }
0x7d: {  	[sflag:s3] =	ssyncset.done $0x0  }
0x7e: {  	s12 =	simm.s32 $0x62C0;
	[sflag:s3] =	ssyncadd.s32 $0xFFFFE000  }
0x7f: {  	[tilespmem:s28], [sflag:$0x6] =	stream.indirect.gather.add.f32 [hbm:s1], $0x80, s12, s11, $0xb8;
	[tilespmem:$0x18000] =	vst v63  }
0x80: {  	s13 =	simm.s32 $0x6680  }
0x81: {  	[tilespmem:s28], [sflag:$0x6] =	stream.indirect.gather.add.f32 [hbm:s1], $0x80, s13, s11, $0xb8;
	[tilespmem:$0x18000] =	vst v63  }
0x82: {  	_ =	swait.ge [sflag:s29], $0x2000  }
0x83: {  	[sflag:s29] =	ssyncset.done $0x0  }
0x84: {  	[sflag:s29] =	ssyncadd.s32 $0xFFFFE000  }
0x85: {  	_ =	swait.ge [sflag:s29], $0x2000  }
0x86: {  	p0 =	por $0x0, $0x0;
	s17 =	rddreg [dreg:$0x5];
	[sflag:s29] =	ssyncset.done $0x0  }
0x87: {  	s5 =	simm.s32 @!p0 $0x9;
	[sflag:s29] =	ssyncadd.s32 $0xFFFFE000;
	s4 =	sadd.s32 $0x0, s17  }
0x88: {  	[hbm4b:s4+s2] =	stream.linear.scatter [tilespmem:s16], [sflag:$0xA], $0x4000, $0x38;
	[tilespmem:$0x18000] =	vst v63  }
0x89: {  	_ =	swait.ge @!p0 [sflag:s5], $0x4000  }
0x8a: {  	s6 =	simm.s32 @!p0 $0x6800;
	[sflag:s5] =	ssyncset.done @!p0 $0x0  }
0x8b: {  	s9 =	simm.s32 @!p0 $0x8000;
	s4 =	simm.s32 @!p0 $0x40;
	[sflag:s5] =	ssyncadd.s32 @!p0 $0xFFFFC000  }
0x8c: {  	[tilespmem:s9], [sflag:$0x1] =	stream.indirect.gather @!p0 [hbm4b:s1+s4], $0x80, s6, s4, $0xb8;
	[tilespmem:$0x18000] =	vst v63  }
0x8d: {  	_ =	swait.ge [sflag:s7], $0x2000  }
0x8e: {  	[sflag:s7] =	ssyncset.done $0x0  }
0x8f: {  	s18 =	simm.s32 $0x6340;
	[sflag:s7] =	ssyncadd.s32 $0xFFFFE000  }
0x90: {  	[tilespmem:s30], [sflag:$0x7] =	stream.indirect.gather.add.f32 [hbm:s1], $0x80, s18, s11, $0xb8;
	[tilespmem:$0x18000] =	vst v63  }
0x91: {  	s20 =	simm.s32 $0x6700  }
0x92: {  	[tilespmem:s30], [sflag:$0x7] =	stream.indirect.gather.add.f32 [hbm:s1], $0x80, s20, s11, $0xb8;
	[tilespmem:$0x18000] =	vst v63  }
0x93: {  	_ =	swait.ge [sflag:s31], $0x2000  }
0x94: {  	[sflag:s31] =	ssyncset.done $0x0  }
0x95: {  	[sflag:s31] =	ssyncadd.s32 $0xFFFFE000  }
0x96: {  	_ =	swait.ge [sflag:s31], $0x2000  }
0x97: {  	[sflag:s31] =	ssyncset.done $0x0  }
0x98: {  	s5 =	simm.s32 @!p0 $0x6880;
	s6 =	simm.s32 @!p0 $0xA000;
	[sflag:s31] =	ssyncadd.s32 $0xFFFFE000  }
0x99: {  	[tilespmem:s6], [sflag:$0x2] =	stream.indirect.gather @!p0 [hbm4b:s1+s4], $0x80, s5, s4, $0xb8;
	[tilespmem:$0x18000] =	vst v63  }
0x9a: {  	_ =	swait.ge [sflag:s8], $0x2000  }
0x9b: {  	[sflag:s8] =	ssyncset.done $0x0  }
0x9c: {  	s21 =	simm.s32 $0x63C0;
	[sflag:s8] =	ssyncadd.s32 $0xFFFFE000  }
0x9d: {  	[tilespmem:s0], [sflag:$0x8] =	stream.indirect.gather.add.f32 [hbm:s1], $0x80, s21, s11, $0xb8;
	[tilespmem:$0x18000] =	vst v63  }
0x9e: {  	s23 =	simm.s32 $0x6780  }
0x9f: {  	[tilespmem:s0], [sflag:$0x8] =	stream.indirect.gather.add.f32 [hbm:s1], $0x80, s23, s11, $0xb8;
	[tilespmem:$0x18000] =	vst v63  }
0xa0: {  	_ =	swait.ge [sflag:s3], $0x2000  }
0xa1: {  	[sflag:s3] =	ssyncset.done $0x0  }
0xa2: {  	[sflag:s3] =	ssyncadd.s32 $0xFFFFE000  }
0xa3: {  	_ =	swait.ge [sflag:s3], $0x2000  }
0xa4: {  	s24 =	rddreg [dreg:$0x6];
	[sflag:s3] =	ssyncset.done $0x0  }
0xa5: {  	s12 =	simm.s32 @p0 $0x7;
	[sflag:s3] =	ssyncadd.s32 $0xFFFFE000;
	s5 =	sadd.s32 $0x0, s24  }
0xa6: {  	[hbm4b:s5+s2] =	stream.linear.scatter [tilespmem:s25], [sflag:$0xB], $0x4000, $0x38;
	[tilespmem:$0x18000] =	vst v63  }
0xa7: {  	_ =	swait.ge @p0 [sflag:s12], $0x2000  }
0xa8: {  	[sflag:s12] =	ssyncset.done @p0 $0x0  }
0xa9: {  	[sflag:s12] =	ssyncadd.s32 @p0 $0xFFFFE000  }
0xaa: {  	_ =	swait.ge @p0 [sflag:s12], $0x2000  }
0xab: {  	[sflag:s12] =	ssyncset.done @p0 $0x0  }
0xac: {  	s5 =	simm.s32 @!p0 $0xA;
	[sflag:s12] =	ssyncadd.s32 @p0 $0xFFFFE000  }
0xad: {  	_ =	swait.ge @!p0 [sflag:s5], $0x4000  }
0xae: {  	[sflag:s5] =	ssyncset.done @!p0 $0x0  }
0xaf: {  	s12 =	simm.s32 @!p0 $0x6900;
	[sflag:s5] =	ssyncadd.s32 @!p0 $0xFFFFC000;
	s5 =	simm.s32 @!p0 $0xC000  }
0xb0: {  	[tilespmem:s5], [sflag:$0x3] =	stream.indirect.gather @!p0 [hbm4b:s1+s4], $0x80, s12, s4, $0xb8;
	[tilespmem:$0x18000] =	vst v63  }
0xb1: {  	s5 =	simm.s32 @!p0 $0x1  }
0xb2: {  	_ =	swait.ge @!p0 [sflag:s5], $0x2000  }
0xb3: {  	[sflag:s5] =	ssyncset.done @!p0 $0x0  }
0xb4: {  	[sflag:s5] =	ssyncadd.s32 @!p0 $0xFFFFE000;
	s5 =	simm.s32 @!p0 $0x6840  }
0xb5: {  	[tilespmem:s9], [sflag:$0x1] =	stream.indirect.gather.add.f32 @!p0 [hbm:s1], $0x80, s5, s4, $0xb8;
	[tilespmem:$0x18000] =	vst v63  }
0xb6: {  	s5 =	simm.s32 @!p0 $0x6C00  }
0xb7: {  	[tilespmem:s9], [sflag:$0x1] =	stream.indirect.gather.add.f32 @!p0 [hbm:s1], $0x80, s5, s4, $0xb8;
	[tilespmem:$0x18000] =	vst v63  }
0xb8: {  	s5 =	simm.s32 @!p0 $0x7  }
0xb9: {  	_ =	swait.ge @!p0 [sflag:s5], $0x2000  }
0xba: {  	[sflag:s5] =	ssyncset.done @!p0 $0x0  }
0xbb: {  	[sflag:s5] =	ssyncadd.s32 @!p0 $0xFFFFE000  }
0xbc: {  	_ =	swait.ge @!p0 [sflag:s5], $0x2000  }
0xbd: {  	[sflag:s5] =	ssyncset.done @!p0 $0x0  }
0xbe: {  	s9 =	simm.s32 @!p0 $0x6980;
	[sflag:s5] =	ssyncadd.s32 @!p0 $0xFFFFE000;
	s5 =	simm.s32 @!p0 $0xE000  }
0xbf: {  	[tilespmem:s5], [sflag:$0x4] =	stream.indirect.gather @!p0 [hbm4b:s1+s4], $0x80, s9, s4, $0xb8;
	[tilespmem:$0x18000] =	vst v63  }
0xc0: {  	s5 =	simm.s32 @!p0 $0x2  }
0xc1: {  	_ =	swait.ge @!p0 [sflag:s5], $0x2000  }
0xc2: {  	[sflag:s5] =	ssyncset.done @!p0 $0x0  }
0xc3: {  	s9 =	simm.s32 @!p0 $0x68C0;
	[sflag:s5] =	ssyncadd.s32 @!p0 $0xFFFFE000  }
0xc4: {  	[tilespmem:s6], [sflag:$0x2] =	stream.indirect.gather.add.f32 @!p0 [hbm:s1], $0x80, s9, s4, $0xb8;
	[tilespmem:$0x18000] =	vst v63  }
0xc5: {  	s5 =	simm.s32 @!p0 $0x6C80  }
0xc6: {  	[tilespmem:s6], [sflag:$0x2] =	stream.indirect.gather.add.f32 @!p0 [hbm:s1], $0x80, s5, s4, $0xb8;
	[tilespmem:$0x18000] =	vst v63  }
0xc7: {  	_ =	swait.ge [sflag:s8], $0x2000  }
0xc8: {  	[sflag:s8] =	ssyncset.done $0x0  }
0xc9: {  	[sflag:s8] =	ssyncadd.s32 $0xFFFFE000  }
0xca: {  	p1 =	por $0x0, $0x0;
	_ =	swait.ge [sflag:s8], $0x2000  }
0xcb: {  	s23 =	simm.s32 $0x2000;
	s24 =	simm.s32 $0x0;
	[sflag:s8] =	ssyncset.done $0x0  }
0xcc: {  	s4 =	simm.s32 $0x4000;
	s5 =	rddreg [dreg:$0x4];
	[sflag:s8] =	ssyncadd.s32 $0xFFFFE000  }
.LBB2_4:
0xcd: {  	s6 =	simm.s32 @!p1 $0xB;
	s5 =	sadd.s32 s24, s5  }
0xce: {  	[hbm4b:s5+s2] =	stream.linear.scatter [tilespmem:s30], [sflag:$0xC], $0x4000, $0x38;
	[tilespmem:$0x18000] =	vst v63  }
0xcf: {  	s24 =	smov.u32 s23;
	_ =	swait.ge @!p1 [sflag:s6], $0x4000  }
0xd0: {  	s5 =	sshra.s32 s24, $0x2;
	[sflag:s6] =	ssyncset.done @!p1 $0x0  }
0xd1: {  	s21 =	sadd.s32 $0x6200, s5;
	[sflag:s6] =	ssyncadd.s32 @!p1 $0xFFFFC000  }
0xd2: {  	[tilespmem:s25], [sflag:$0x5] =	stream.indirect.gather [hbm4b:s1+s11], $0x80, s21, s11, $0xb8;
	[tilespmem:$0x18000] =	vst v63  }
0xd3: {  	_ =	swait.ge [sflag:s26], $0x2000  }
0xd4: {  	s9 =	smov.u32 s4;
	[sflag:s26] =	ssyncset.done $0x0  }
0xd5: {  	s23 =	smov.u32 s9;
	s9 =	sadd.s32 $0x6140, s5;
	[sflag:s26] =	ssyncadd.s32 $0xFFFFE000  }
0xd6: {  	[tilespmem:s16], [sflag:$0x3] =	stream.indirect.gather.add.f32 [hbm:s1], $0x80, s9, s11, $0xb8;
	[tilespmem:$0x18000] =	vst v63  }
0xd7: {  	s12 =	sadd.s32 $0x6500, s5  }
0xd8: {  	[tilespmem:s16], [sflag:$0x3] =	stream.indirect.gather.add.f32 [hbm:s1], $0x80, s12, s11, $0xb8;
	[tilespmem:$0x18000] =	vst v63  }
0xd9: {  	_ =	swait.ge [sflag:s19], $0x2000  }
0xda: {  	[sflag:s19] =	ssyncset.done $0x0  }
0xdb: {  	[sflag:s19] =	ssyncadd.s32 $0xFFFFE000  }
0xdc: {  	_ =	swait.ge [sflag:s19], $0x2000  }
0xdd: {  	[sflag:s19] =	ssyncset.done $0x0  }
0xde: {  	s13 =	sadd.s32 $0x6280, s5;
	[sflag:s19] =	ssyncadd.s32 $0xFFFFE000  }
0xdf: {  	[tilespmem:s28], [sflag:$0x6] =	stream.indirect.gather [hbm4b:s1+s11], $0x80, s13, s11, $0xb8;
	[tilespmem:$0x18000] =	vst v63  }
0xe0: {  	_ =	swait.ge [sflag:s29], $0x2000  }
0xe1: {  	[sflag:s29] =	ssyncset.done $0x0  }
0xe2: {  	s17 =	sadd.s32 $0x61C0, s5;
	[sflag:s29] =	ssyncadd.s32 $0xFFFFE000  }
0xe3: {  	[tilespmem:s15], [sflag:$0x4] =	stream.indirect.gather.add.f32 [hbm:s1], $0x80, s17, s11, $0xb8;
	[tilespmem:$0x18000] =	vst v63  }
0xe4: {  	s18 =	sadd.s32 $0x6580, s5  }
0xe5: {  	[tilespmem:s15], [sflag:$0x4] =	stream.indirect.gather.add.f32 [hbm:s1], $0x80, s18, s11, $0xb8;
	[tilespmem:$0x18000] =	vst v63  }
0xe6: {  	_ =	swait.ge [sflag:s22], $0x2000  }
0xe7: {  	[sflag:s22] =	ssyncset.done $0x0  }
0xe8: {  	[sflag:s22] =	ssyncadd.s32 $0xFFFFE000  }
0xe9: {  	_ =	swait.ge [sflag:s22], $0x2000  }
0xea: {  	s20 =	rddreg [dreg:$0x7];
	[sflag:s22] =	ssyncset.done $0x0  }
0xeb: {  	s9 =	simm.s32 @!p1 $0xC;
	[sflag:s22] =	ssyncadd.s32 $0xFFFFE000;
	s6 =	sadd.s32 s24, s20  }
0xec: {  	[hbm4b:s6+s2] =	stream.linear.scatter [tilespmem:s14], [sflag:$0x9], $0x4000, $0x38;
	[tilespmem:$0x18000] =	vst v63  }
0xed: {  	_ =	swait.ge @!p1 [sflag:s9], $0x4000  }
0xee: {  	[sflag:s9] =	ssyncset.done @!p1 $0x0  }
0xef: {  	s21 =	sadd.s32 $0x6300, s5;
	[sflag:s9] =	ssyncadd.s32 @!p1 $0xFFFFC000  }
0xf0: {  	[tilespmem:s30], [sflag:$0x7] =	stream.indirect.gather [hbm4b:s1+s11], $0x80, s21, s11, $0xb8;
	[tilespmem:$0x18000] =	vst v63  }
0xf1: {  	_ =	swait.ge [sflag:s31], $0x2000  }
0xf2: {  	[sflag:s31] =	ssyncset.done $0x0  }
0xf3: {  	s9 =	sadd.s32 $0x6240, s5;
	[sflag:s31] =	ssyncadd.s32 $0xFFFFE000  }
0xf4: {  	[tilespmem:s25], [sflag:$0x5] =	stream.indirect.gather.add.f32 [hbm:s1], $0x80, s9, s11, $0xb8;
	[tilespmem:$0x18000] =	vst v63  }
0xf5: {  	s12 =	sadd.s32 $0x6600, s5  }
0xf6: {  	[tilespmem:s25], [sflag:$0x5] =	stream.indirect.gather.add.f32 [hbm:s1], $0x80, s12, s11, $0xb8;
	[tilespmem:$0x18000] =	vst v63  }
0xf7: {  	_ =	swait.ge [sflag:s26], $0x2000  }
0xf8: {  	[sflag:s26] =	ssyncset.done $0x0  }
0xf9: {  	[sflag:s26] =	ssyncadd.s32 $0xFFFFE000  }
0xfa: {  	_ =	swait.ge [sflag:s26], $0x2000  }
0xfb: {  	[sflag:s26] =	ssyncset.done $0x0  }
0xfc: {  	s13 =	sadd.s32 $0x6380, s5;
	[sflag:s26] =	ssyncadd.s32 $0xFFFFE000  }
0xfd: {  	[tilespmem:s0], [sflag:$0x8] =	stream.indirect.gather [hbm4b:s1+s11], $0x80, s13, s11, $0xb8;
	[tilespmem:$0x18000] =	vst v63  }
0xfe: {  	_ =	swait.ge [sflag:s3], $0x2000  }
0xff: {  	[sflag:s3] =	ssyncset.done $0x0  }
0x100: {  	s14 =	sadd.s32 $0x62C0, s5;
	[sflag:s3] =	ssyncadd.s32 $0xFFFFE000  }
0x101: {  	[tilespmem:s28], [sflag:$0x6] =	stream.indirect.gather.add.f32 [hbm:s1], $0x80, s14, s11, $0xb8;
	[tilespmem:$0x18000] =	vst v63  }
0x102: {  	s15 =	sadd.s32 $0x6680, s5  }
0x103: {  	[tilespmem:s28], [sflag:$0x6] =	stream.indirect.gather.add.f32 [hbm:s1], $0x80, s15, s11, $0xb8;
	[tilespmem:$0x18000] =	vst v63  }
0x104: {  	_ =	swait.ge [sflag:s29], $0x2000  }
0x105: {  	[sflag:s29] =	ssyncset.done $0x0  }
0x106: {  	[sflag:s29] =	ssyncadd.s32 $0xFFFFE000  }
0x107: {  	_ =	swait.ge [sflag:s29], $0x2000  }
0x108: {  	p1 =	seq.s32 s24, $0x6000;
	s17 =	rddreg [dreg:$0x5];
	[sflag:s29] =	ssyncset.done $0x0  }
0x109: {  	s12 =	simm.s32 @!p1 $0x9;
	[sflag:s29] =	ssyncadd.s32 $0xFFFFE000;
	s6 =	sadd.s32 s24, s17  }
0x10a: {  	[hbm4b:s6+s2] =	stream.linear.scatter [tilespmem:s16], [sflag:$0xA], $0x4000, $0x38;
	[tilespmem:$0x18000] =	vst v63  }
0x10b: {  	_ =	swait.ge @!p1 [sflag:s12], $0x4000  }
0x10c: {  	s9 =	simm.s32 @!p1 $0x40;
	s13 =	sshra.s32 @!p1 s24, $0x2;
	[sflag:s12] =	ssyncset.done @!p1 $0x0  }
0x10d: {  	s14 =	sadd.s32 @!p1 $0x6800, s13;
	s17 =	simm.s32 @!p1 $0x8000;
	[sflag:s12] =	ssyncadd.s32 @!p1 $0xFFFFC000  }
0x10e: {  	[tilespmem:s17], [sflag:$0x1] =	stream.indirect.gather @!p1 [hbm4b:s1+s9], $0x80, s14, s9, $0xb8;
	[tilespmem:$0x18000] =	vst v63  }
0x10f: {  	_ =	swait.ge [sflag:s7], $0x2000  }
0x110: {  	[sflag:s7] =	ssyncset.done $0x0  }
0x111: {  	s20 =	sadd.s32 $0x6340, s5;
	[sflag:s7] =	ssyncadd.s32 $0xFFFFE000  }
0x112: {  	[tilespmem:s30], [sflag:$0x7] =	stream.indirect.gather.add.f32 [hbm:s1], $0x80, s20, s11, $0xb8;
	[tilespmem:$0x18000] =	vst v63  }
0x113: {  	s20 =	sadd.s32 $0x6700, s5  }
0x114: {  	[tilespmem:s30], [sflag:$0x7] =	stream.indirect.gather.add.f32 [hbm:s1], $0x80, s20, s11, $0xb8;
	[tilespmem:$0x18000] =	vst v63  }
0x115: {  	_ =	swait.ge [sflag:s31], $0x2000  }
0x116: {  	[sflag:s31] =	ssyncset.done $0x0  }
0x117: {  	[sflag:s31] =	ssyncadd.s32 $0xFFFFE000  }
0x118: {  	_ =	swait.ge [sflag:s31], $0x2000  }
0x119: {  	[sflag:s31] =	ssyncset.done $0x0  }
0x11a: {  	s18 =	sadd.s32 @!p1 $0x6880, s13;
	s20 =	simm.s32 @!p1 $0xA000;
	[sflag:s31] =	ssyncadd.s32 $0xFFFFE000  }
0x11b: {  	[tilespmem:s20], [sflag:$0x2] =	stream.indirect.gather @!p1 [hbm4b:s1+s9], $0x80, s18, s9, $0xb8;
	[tilespmem:$0x18000] =	vst v63  }
0x11c: {  	_ =	swait.ge [sflag:s8], $0x2000  }
0x11d: {  	[sflag:s8] =	ssyncset.done $0x0  }
0x11e: {  	s18 =	sadd.s32 $0x63C0, s5;
	[sflag:s8] =	ssyncadd.s32 $0xFFFFE000  }
0x11f: {  	[tilespmem:s0], [sflag:$0x8] =	stream.indirect.gather.add.f32 [hbm:s1], $0x80, s18, s11, $0xb8;
	[tilespmem:$0x18000] =	vst v63  }
0x120: {  	s5 =	sadd.s32 $0x6780, s5  }
0x121: {  	[tilespmem:s0], [sflag:$0x8] =	stream.indirect.gather.add.f32 [hbm:s1], $0x80, s5, s11, $0xb8;
	[tilespmem:$0x18000] =	vst v63  }
0x122: {  	_ =	swait.ge [sflag:s3], $0x2000  }
0x123: {  	[sflag:s3] =	ssyncset.done $0x0  }
0x124: {  	[sflag:s3] =	ssyncadd.s32 $0xFFFFE000  }
0x125: {  	_ =	swait.ge [sflag:s3], $0x2000  }
0x126: {  	s18 =	rddreg [dreg:$0x6];
	[sflag:s3] =	ssyncset.done $0x0  }
0x127: {  	[sflag:s3] =	ssyncadd.s32 $0xFFFFE000;
	s5 =	sadd.s32 s24, s18;
	s18 =	simm.s32 @p1 $0x7  }
0x128: {  	[hbm4b:s5+s2] =	stream.linear.scatter [tilespmem:s25], [sflag:$0xB], $0x4000, $0x38;
	[tilespmem:$0x18000] =	vst v63  }
0x129: {  	_ =	swait.ge @p1 [sflag:s18], $0x2000  }
0x12a: {  	[sflag:s18] =	ssyncset.done @p1 $0x0  }
0x12b: {  	[sflag:s18] =	ssyncadd.s32 @p1 $0xFFFFE000  }
0x12c: {  	_ =	swait.ge @p1 [sflag:s18], $0x2000  }
0x12d: {  	[sflag:s18] =	ssyncset.done @p1 $0x0  }
0x12e: {  	s5 =	simm.s32 @!p1 $0xA;
	[sflag:s18] =	ssyncadd.s32 @p1 $0xFFFFE000  }
0x12f: {  	_ =	swait.ge @!p1 [sflag:s5], $0x4000  }
0x130: {  	s12 =	sadd.s32 @!p1 $0x6900, s13;
	[sflag:s5] =	ssyncset.done @!p1 $0x0  }
0x131: {  	s18 =	simm.s32 @!p1 $0xC000;
	[sflag:s5] =	ssyncadd.s32 @!p1 $0xFFFFC000;
	s5 =	simm.s32 @!p1 $0x1  }
0x132: {  	[tilespmem:s18], [sflag:$0x3] =	stream.indirect.gather @!p1 [hbm4b:s1+s9], $0x80, s12, s9, $0xb8;
	[tilespmem:$0x18000] =	vst v63  }
0x133: {  	_ =	swait.ge @!p1 [sflag:s5], $0x2000  }
0x134: {  	[sflag:s5] =	ssyncset.done @!p1 $0x0  }
0x135: {  	s6 =	sadd.s32 @!p1 $0x6840, s13;
	[sflag:s5] =	ssyncadd.s32 @!p1 $0xFFFFE000  }
0x136: {  	[tilespmem:s17], [sflag:$0x1] =	stream.indirect.gather.add.f32 @!p1 [hbm:s1], $0x80, s6, s9, $0xb8;
	[tilespmem:$0x18000] =	vst v63  }
0x137: {  	s21 =	sadd.s32 @!p1 $0x6C00, s13;
	s5 =	simm.s32 @!p1 $0x7  }
0x138: {  	[tilespmem:s17], [sflag:$0x1] =	stream.indirect.gather.add.f32 @!p1 [hbm:s1], $0x80, s21, s9, $0xb8;
	[tilespmem:$0x18000] =	vst v63  }
0x139: {  	_ =	swait.ge @!p1 [sflag:s5], $0x2000  }
0x13a: {  	[sflag:s5] =	ssyncset.done @!p1 $0x0  }
0x13b: {  	[sflag:s5] =	ssyncadd.s32 @!p1 $0xFFFFE000  }
0x13c: {  	_ =	swait.ge @!p1 [sflag:s5], $0x2000  }
0x13d: {  	s15 =	sadd.s32 @!p1 $0x6980, s13;
	[sflag:s5] =	ssyncset.done @!p1 $0x0  }
0x13e: {  	s6 =	simm.s32 @!p1 $0xE000;
	[sflag:s5] =	ssyncadd.s32 @!p1 $0xFFFFE000;
	s5 =	simm.s32 @!p1 $0x2  }
0x13f: {  	[tilespmem:s6], [sflag:$0x4] =	stream.indirect.gather @!p1 [hbm4b:s1+s9], $0x80, s15, s9, $0xb8;
	[tilespmem:$0x18000] =	vst v63  }
0x140: {  	_ =	swait.ge @!p1 [sflag:s5], $0x2000  }
0x141: {  	[sflag:s5] =	ssyncset.done @!p1 $0x0  }
0x142: {  	s14 =	sadd.s32 @!p1 $0x68C0, s13;
	[sflag:s5] =	ssyncadd.s32 @!p1 $0xFFFFE000  }
0x143: {  	[tilespmem:s20], [sflag:$0x2] =	stream.indirect.gather.add.f32 @!p1 [hbm:s1], $0x80, s14, s9, $0xb8;
	[tilespmem:$0x18000] =	vst v63  }
0x144: {  	s4 =	sadd.s32 $0x2000, s4;
	s13 =	sadd.s32 @!p1 $0x6C80, s13  }
0x145: {  	[tilespmem:s20], [sflag:$0x2] =	stream.indirect.gather.add.f32 @!p1 [hbm:s1], $0x80, s13, s9, $0xb8;
	[tilespmem:$0x18000] =	vst v63  }
0x146: {  	p0 =	sne.s32 s4, $0x8000;
	_ =	swait.ge [sflag:s8], $0x2000  }
.Ltmp1:
0x147: {  	[sflag:s8] =	ssyncset.done $0x0;
	(pc) =	sbr.rel @p0 .LBB2_4-.Ltmp1, $4  }
0x148: {  	[sflag:s8] =	ssyncadd.s32 $0xFFFFE000  }
0x149: {  	_ =	swait.ge [sflag:s8], $0x2000  }
0x14a: {  	s15 =	simm.s32 $0xE000;
	s14 =	simm.s32 $0x8000;
	[sflag:s8] =	ssyncset.done $0x0  }
0x14b: {  	p1 =	seq.s32 s23, $0x0;
	s5 =	rddreg [dreg:$0x4];
	[sflag:s8] =	ssyncadd.s32 $0xFFFFE000  }
0x14c: {  	s6 =	simm.s32 @!p1 $0xB;
	s4 =	sadd.s32 s24, s5  }
0x14d: {  	[hbm4b:s4+s2] =	stream.linear.scatter [tilespmem:s30], [sflag:$0xC], $0x4000, $0x38;
	[tilespmem:$0x18000] =	vst v63  }
0x14e: {  	_ =	swait.ge @!p1 [sflag:s6], $0x4000  }
0x14f: {  	s4 =	sshra.s32 s23, $0x2;
	[sflag:s6] =	ssyncset.done @!p1 $0x0  }
0x150: {  	s9 =	sadd.s32 $0x6200, s4;
	[sflag:s6] =	ssyncadd.s32 @!p1 $0xFFFFC000  }
0x151: {  	[tilespmem:s25], [sflag:$0x5] =	stream.indirect.gather [hbm4b:s1+s11], $0x80, s9, s11, $0xb8;
	[tilespmem:$0x18000] =	vst v63  }
0x152: {  	_ =	swait.ge [sflag:s26], $0x2000  }
0x153: {  	[sflag:s26] =	ssyncset.done $0x0  }
0x154: {  	s12 =	sadd.s32 $0x6140, s4;
	[sflag:s26] =	ssyncadd.s32 $0xFFFFE000  }
0x155: {  	[tilespmem:s16], [sflag:$0x3] =	stream.indirect.gather.add.f32 [hbm:s1], $0x80, s12, s11, $0xb8;
	[tilespmem:$0x18000] =	vst v63  }
0x156: {  	s13 =	sadd.s32 $0x6500, s4  }
0x157: {  	[tilespmem:s16], [sflag:$0x3] =	stream.indirect.gather.add.f32 [hbm:s1], $0x80, s13, s11, $0xb8;
	[tilespmem:$0x18000] =	vst v63  }
0x158: {  	_ =	swait.ge [sflag:s19], $0x2000  }
0x159: {  	[sflag:s19] =	ssyncset.done $0x0  }
0x15a: {  	[sflag:s19] =	ssyncadd.s32 $0xFFFFE000  }
0x15b: {  	_ =	swait.ge [sflag:s19], $0x2000  }
0x15c: {  	[sflag:s19] =	ssyncset.done $0x0  }
0x15d: {  	s17 =	sadd.s32 $0x6280, s4;
	[sflag:s19] =	ssyncadd.s32 $0xFFFFE000  }
0x15e: {  	[tilespmem:s28], [sflag:$0x6] =	stream.indirect.gather [hbm4b:s1+s11], $0x80, s17, s11, $0xb8;
	[tilespmem:$0x18000] =	vst v63  }
0x15f: {  	_ =	swait.ge [sflag:s29], $0x2000  }
0x160: {  	[sflag:s29] =	ssyncset.done $0x0  }
0x161: {  	s18 =	sadd.s32 $0x61C0, s4;
	[sflag:s29] =	ssyncadd.s32 $0xFFFFE000  }
0x162: {  	[tilespmem:s15], [sflag:$0x4] =	stream.indirect.gather.add.f32 [hbm:s1], $0x80, s18, s11, $0xb8;
	[tilespmem:$0x18000] =	vst v63  }
0x163: {  	s20 =	sadd.s32 $0x6580, s4  }
0x164: {  	[tilespmem:s15], [sflag:$0x4] =	stream.indirect.gather.add.f32 [hbm:s1], $0x80, s20, s11, $0xb8;
	[tilespmem:$0x18000] =	vst v63  }
0x165: {  	_ =	swait.ge [sflag:s22], $0x2000  }
0x166: {  	[sflag:s22] =	ssyncset.done $0x0  }
0x167: {  	[sflag:s22] =	ssyncadd.s32 $0xFFFFE000  }
0x168: {  	_ =	swait.ge [sflag:s22], $0x2000  }
0x169: {  	s21 =	rddreg [dreg:$0x7];
	[sflag:s22] =	ssyncset.done $0x0  }
0x16a: {  	s6 =	simm.s32 @!p1 $0xC;
	[sflag:s22] =	ssyncadd.s32 $0xFFFFE000;
	s5 =	sadd.s32 s23, s21  }
0x16b: {  	[hbm4b:s5+s2] =	stream.linear.scatter [tilespmem:s14], [sflag:$0x9], $0x4000, $0x38;
	[tilespmem:$0x18000] =	vst v63  }
0x16c: {  	_ =	swait.ge @!p1 [sflag:s6], $0x4000  }
0x16d: {  	[sflag:s6] =	ssyncset.done @!p1 $0x0  }
0x16e: {  	s24 =	sadd.s32 $0x6300, s4;
	[sflag:s6] =	ssyncadd.s32 @!p1 $0xFFFFC000  }
0x16f: {  	[tilespmem:s30], [sflag:$0x7] =	stream.indirect.gather [hbm4b:s1+s11], $0x80, s24, s11, $0xb8;
	[tilespmem:$0x18000] =	vst v63  }
0x170: {  	_ =	swait.ge [sflag:s31], $0x2000  }
0x171: {  	[sflag:s31] =	ssyncset.done $0x0  }
0x172: {  	s6 =	sadd.s32 $0x6240, s4;
	[sflag:s31] =	ssyncadd.s32 $0xFFFFE000  }
0x173: {  	[tilespmem:s25], [sflag:$0x5] =	stream.indirect.gather.add.f32 [hbm:s1], $0x80, s6, s11, $0xb8;
	[tilespmem:$0x18000] =	vst v63  }
0x174: {  	s9 =	sadd.s32 $0x6600, s4  }
0x175: {  	[tilespmem:s25], [sflag:$0x5] =	stream.indirect.gather.add.f32 [hbm:s1], $0x80, s9, s11, $0xb8;
	[tilespmem:$0x18000] =	vst v63  }
0x176: {  	_ =	swait.ge [sflag:s26], $0x2000  }
0x177: {  	[sflag:s26] =	ssyncset.done $0x0  }
0x178: {  	[sflag:s26] =	ssyncadd.s32 $0xFFFFE000  }
0x179: {  	_ =	swait.ge [sflag:s26], $0x2000  }
0x17a: {  	[sflag:s26] =	ssyncset.done $0x0  }
0x17b: {  	s12 =	sadd.s32 $0x6380, s4;
	[sflag:s26] =	ssyncadd.s32 $0xFFFFE000  }
0x17c: {  	[tilespmem:s0], [sflag:$0x8] =	stream.indirect.gather [hbm4b:s1+s11], $0x80, s12, s11, $0xb8;
	[tilespmem:$0x18000] =	vst v63  }
0x17d: {  	_ =	swait.ge [sflag:s3], $0x2000  }
0x17e: {  	[sflag:s3] =	ssyncset.done $0x0  }
0x17f: {  	s13 =	sadd.s32 $0x62C0, s4;
	[sflag:s3] =	ssyncadd.s32 $0xFFFFE000  }
0x180: {  	[tilespmem:s28], [sflag:$0x6] =	stream.indirect.gather.add.f32 [hbm:s1], $0x80, s13, s11, $0xb8;
	[tilespmem:$0x18000] =	vst v63  }
0x181: {  	s17 =	sadd.s32 $0x6680, s4  }
0x182: {  	[tilespmem:s28], [sflag:$0x6] =	stream.indirect.gather.add.f32 [hbm:s1], $0x80, s17, s11, $0xb8;
	[tilespmem:$0x18000] =	vst v63  }
0x183: {  	_ =	swait.ge [sflag:s29], $0x2000  }
0x184: {  	[sflag:s29] =	ssyncset.done $0x0  }
0x185: {  	[sflag:s29] =	ssyncadd.s32 $0xFFFFE000  }
0x186: {  	_ =	swait.ge [sflag:s29], $0x2000  }
0x187: {  	p0 =	seq.s32 s23, $0x6000;
	s18 =	rddreg [dreg:$0x5];
	[sflag:s29] =	ssyncset.done $0x0  }
0x188: {  	s9 =	simm.s32 @!p0 $0x9;
	[sflag:s29] =	ssyncadd.s32 $0xFFFFE000;
	s5 =	sadd.s32 s23, s18  }
0x189: {  	[hbm4b:s5+s2] =	stream.linear.scatter [tilespmem:s16], [sflag:$0xA], $0x4000, $0x38;
	[tilespmem:$0x18000] =	vst v63  }
0x18a: {  	_ =	swait.ge @!p0 [sflag:s9], $0x4000  }
0x18b: {  	s6 =	simm.s32 @!p0 $0x40;
	s5 =	sshra.s32 @!p0 s23, $0x2;
	[sflag:s9] =	ssyncset.done @!p0 $0x0  }
0x18c: {  	s13 =	simm.s32 @!p0 $0x8000;
	s12 =	sadd.s32 @!p0 $0x6800, s5;
	[sflag:s9] =	ssyncadd.s32 @!p0 $0xFFFFC000  }
0x18d: {  	[tilespmem:s13], [sflag:$0x1] =	stream.indirect.gather @!p0 [hbm4b:s1+s6], $0x80, s12, s6, $0xb8;
	[tilespmem:$0x18000] =	vst v63  }
0x18e: {  	_ =	swait.ge [sflag:s7], $0x2000  }
0x18f: {  	[sflag:s7] =	ssyncset.done $0x0  }
0x190: {  	s20 =	sadd.s32 $0x6340, s4;
	[sflag:s7] =	ssyncadd.s32 $0xFFFFE000  }
0x191: {  	[tilespmem:s30], [sflag:$0x7] =	stream.indirect.gather.add.f32 [hbm:s1], $0x80, s20, s11, $0xb8;
	[tilespmem:$0x18000] =	vst v63  }
0x192: {  	s21 =	sadd.s32 $0x6700, s4  }
0x193: {  	[tilespmem:s30], [sflag:$0x7] =	stream.indirect.gather.add.f32 [hbm:s1], $0x80, s21, s11, $0xb8;
	[tilespmem:$0x18000] =	vst v63  }
0x194: {  	_ =	swait.ge [sflag:s31], $0x2000  }
0x195: {  	[sflag:s31] =	ssyncset.done $0x0  }
0x196: {  	[sflag:s31] =	ssyncadd.s32 $0xFFFFE000  }
0x197: {  	_ =	swait.ge [sflag:s31], $0x2000  }
0x198: {  	[sflag:s31] =	ssyncset.done $0x0  }
0x199: {  	s9 =	sadd.s32 @!p0 $0x6880, s5;
	s12 =	simm.s32 @!p0 $0xA000;
	[sflag:s31] =	ssyncadd.s32 $0xFFFFE000  }
0x19a: {  	[tilespmem:s12], [sflag:$0x2] =	stream.indirect.gather @!p0 [hbm4b:s1+s6], $0x80, s9, s6, $0xb8;
	[tilespmem:$0x18000] =	vst v63  }
0x19b: {  	_ =	swait.ge [sflag:s8], $0x2000  }
0x19c: {  	[sflag:s8] =	ssyncset.done $0x0  }
0x19d: {  	s24 =	sadd.s32 $0x63C0, s4;
	[sflag:s8] =	ssyncadd.s32 $0xFFFFE000  }
0x19e: {  	[tilespmem:s0], [sflag:$0x8] =	stream.indirect.gather.add.f32 [hbm:s1], $0x80, s24, s11, $0xb8;
	[tilespmem:$0x18000] =	vst v63  }
0x19f: {  	s4 =	sadd.s32 $0x6780, s4  }
0x1a0: {  	[tilespmem:s0], [sflag:$0x8] =	stream.indirect.gather.add.f32 [hbm:s1], $0x80, s4, s11, $0xb8;
	[tilespmem:$0x18000] =	vst v63  }
0x1a1: {  	_ =	swait.ge [sflag:s3], $0x2000  }
0x1a2: {  	[sflag:s3] =	ssyncset.done $0x0  }
0x1a3: {  	[sflag:s3] =	ssyncadd.s32 $0xFFFFE000  }
0x1a4: {  	_ =	swait.ge [sflag:s3], $0x2000  }
0x1a5: {  	s9 =	rddreg [dreg:$0x6];
	[sflag:s3] =	ssyncset.done $0x0  }
0x1a6: {  	[sflag:s3] =	ssyncadd.s32 $0xFFFFE000;
	s4 =	sadd.s32 s23, s9;
	s9 =	simm.s32 @p0 $0x7  }
0x1a7: {  	[hbm4b:s4+s2] =	stream.linear.scatter [tilespmem:s25], [sflag:$0xB], $0x4000, $0x38;
	[tilespmem:$0x18000] =	vst v63  }
0x1a8: {  	_ =	swait.ge @p0 [sflag:s9], $0x2000  }
0x1a9: {  	[sflag:s9] =	ssyncset.done @p0 $0x0  }
0x1aa: {  	[sflag:s9] =	ssyncadd.s32 @p0 $0xFFFFE000  }
0x1ab: {  	_ =	swait.ge @p0 [sflag:s9], $0x2000  }
0x1ac: {  	[sflag:s9] =	ssyncset.done @p0 $0x0  }
0x1ad: {  	s4 =	simm.s32 @!p0 $0xA;
	[sflag:s9] =	ssyncadd.s32 @p0 $0xFFFFE000  }
0x1ae: {  	_ =	swait.ge @!p0 [sflag:s4], $0x4000  }
0x1af: {  	[sflag:s4] =	ssyncset.done @!p0 $0x0  }
0x1b0: {  	s9 =	sadd.s32 @!p0 $0x6900, s5;
	[sflag:s4] =	ssyncadd.s32 @!p0 $0xFFFFC000;
	s4 =	simm.s32 @!p0 $0xC000  }
0x1b1: {  	[tilespmem:s4], [sflag:$0x3] =	stream.indirect.gather @!p0 [hbm4b:s1+s6], $0x80, s9, s6, $0xb8;
	[tilespmem:$0x18000] =	vst v63  }
0x1b2: {  	s4 =	simm.s32 @!p0 $0x1  }
0x1b3: {  	_ =	swait.ge @!p0 [sflag:s4], $0x2000  }
0x1b4: {  	[sflag:s4] =	ssyncset.done @!p0 $0x0  }
0x1b5: {  	[sflag:s4] =	ssyncadd.s32 @!p0 $0xFFFFE000;
	s4 =	sadd.s32 @!p0 $0x6840, s5  }
0x1b6: {  	[tilespmem:s13], [sflag:$0x1] =	stream.indirect.gather.add.f32 @!p0 [hbm:s1], $0x80, s4, s6, $0xb8;
	[tilespmem:$0x18000] =	vst v63  }
0x1b7: {  	s4 =	sadd.s32 @!p0 $0x6C00, s5  }
0x1b8: {  	[tilespmem:s13], [sflag:$0x1] =	stream.indirect.gather.add.f32 @!p0 [hbm:s1], $0x80, s4, s6, $0xb8;
	[tilespmem:$0x18000] =	vst v63  }
0x1b9: {  	s4 =	simm.s32 @!p0 $0x7  }
0x1ba: {  	_ =	swait.ge @!p0 [sflag:s4], $0x2000  }
0x1bb: {  	[sflag:s4] =	ssyncset.done @!p0 $0x0  }
0x1bc: {  	[sflag:s4] =	ssyncadd.s32 @!p0 $0xFFFFE000  }
0x1bd: {  	_ =	swait.ge @!p0 [sflag:s4], $0x2000  }
0x1be: {  	[sflag:s4] =	ssyncset.done @!p0 $0x0  }
0x1bf: {  	s9 =	sadd.s32 @!p0 $0x6980, s5;
	[sflag:s4] =	ssyncadd.s32 @!p0 $0xFFFFE000;
	s4 =	simm.s32 @!p0 $0xE000  }
0x1c0: {  	[tilespmem:s4], [sflag:$0x4] =	stream.indirect.gather @!p0 [hbm4b:s1+s6], $0x80, s9, s6, $0xb8;
	[tilespmem:$0x18000] =	vst v63  }
0x1c1: {  	s4 =	simm.s32 @!p0 $0x2  }
0x1c2: {  	_ =	swait.ge @!p0 [sflag:s4], $0x2000  }
0x1c3: {  	[sflag:s4] =	ssyncset.done @!p0 $0x0  }
0x1c4: {  	[sflag:s4] =	ssyncadd.s32 @!p0 $0xFFFFE000;
	s4 =	sadd.s32 @!p0 $0x68C0, s5  }
0x1c5: {  	[tilespmem:s12], [sflag:$0x2] =	stream.indirect.gather.add.f32 @!p0 [hbm:s1], $0x80, s4, s6, $0xb8;
	[tilespmem:$0x18000] =	vst v63  }
0x1c6: {  	s4 =	sadd.s32 @!p0 $0x6C80, s5  }
0x1c7: {  	[tilespmem:s12], [sflag:$0x2] =	stream.indirect.gather.add.f32 @!p0 [hbm:s1], $0x80, s4, s6, $0xb8;
	[tilespmem:$0x18000] =	vst v63  }
0x1c8: {  	_ =	swait.ge [sflag:s8], $0x2000  }
0x1c9: {  	[sflag:s8] =	ssyncset.done $0x0  }
0x1ca: {  	[sflag:s8] =	ssyncadd.s32 $0xFFFFE000  }
0x1cb: {  	_ =	swait.ge [sflag:s8], $0x2000  }
0x1cc: {  	s13 =	rddreg [dreg:$0x4];
	[sflag:s8] =	ssyncset.done $0x0  }
0x1cd: {  	s17 =	simm.s32 $0x9;
	s4 =	sadd.s32 s23, s13;
	[sflag:s8] =	ssyncadd.s32 $0xFFFFE000  }
0x1ce: {  	[hbm4b:s4+s2] =	stream.linear.scatter [tilespmem:s30], [sflag:$0xC], $0x4000, $0x38;
	[tilespmem:$0x18000] =	vst v63  }
0x1cf: {  	_ =	swait.ge [sflag:s17], $0x4000  }
0x1d0: {  	[sflag:s17] =	ssyncset.done $0x0  }
0x1d1: {  	s18 =	simm.s32 $0xA;
	[sflag:s17] =	ssyncadd.s32 $0xFFFFC000  }
0x1d2: {  	_ =	swait.ge [sflag:s18], $0x4000  }
0x1d3: {  	[sflag:s18] =	ssyncset.done $0x0  }
0x1d4: {  	s20 =	simm.s32 $0xB;
	[sflag:s18] =	ssyncadd.s32 $0xFFFFC000  }
0x1d5: {  	_ =	swait.ge [sflag:s20], $0x4000  }
0x1d6: {  	[sflag:s20] =	ssyncset.done $0x0  }
0x1d7: {  	s21 =	simm.s32 $0xC;
	[sflag:s20] =	ssyncadd.s32 $0xFFFFC000  }
0x1d8: {  	_ =	swait.ge [sflag:s21], $0x4000  }
0x1d9: {  	s23 =	rddreg [dreg:$0xb]  }
0x1da: {  	s24 =	rddreg [dreg:$0x9];
	s6 =	sadd.s32 $0x1, s23  }
0x1db: {  	p0 =	sne.s32 s6, s24  }
.Ltmp2:
0x1dc: {  	_ = 	snop;
	(pc) =	sbr.rel @p0 .LBB2_1-.Ltmp2, $3  }
0x1dd: {  	_ =	sdelay $0x1  }
0x1de: {  	[sflag:s21] =	ssyncset.done $0x0  }
0x1df: {  	[sflag:s21] =	ssyncadd.s32 $0xFFFFC000  }
0x1e0: {  	_ =	sfence.sel $0x180000  }
0x1e1: {  	[bflag:$0x0] =	sbarrier.arrive $0xFFFF  }
0x1e2: {  	_ =	strace $0x90000047  }
0x1e3: {  	s0 =	stileid.u32;
	[bflag:$0x2] =	sbarrier.arrive $0xFFFF  }
0x1e4: {  	p0 =	sne.s32 s0, $0x0;
	s0 =	rddreg [dreg:$0x3]  }
0x1e5: {  	s0 =	sadd.s32 @!p0 $0x100000, s0  }
0x1e6: {  	[sflag:s0] =	ssyncadd.tile.s32 @!p0 $0x1;
	_ =	shalt  }
.Lfunc_end2:
_tile_overlayer_lowered:
.L_overlay_start_2:
0x1e7: {  	(tag) =	ssettag $0x2  }
0x1e8: {  	s0 =	rddreg [dreg:$0x0];
	s2 =	stileid.u32  }
0x1e9: {  	s1 =	rddreg [dreg:$0x1];
	p0 =	sne.s32 s2, $0x0  }
0x1ea: {  	s3 =	rddreg [dreg:$0x2];
	[bflag:$0x3] =	sbarrier.arrive $0xFFFF;
	s2 =	simm.s32 @!p0 $0x1C0D  }
0x1eb: {  	[timem:s3], [sflag:s2] =	dma.local @!p0 [hbm:s0], s1  }
0x1ec: {  	s0 =	simm.s32 @!p0 $0xD  }
0x1ed: {  	_ =	swait.ge @!p0 [sflag:s0], s1  }
0x1ee: {  	s1 =	ssub.s32 @!p0 $0x0, s1;
	[sflag:s0] =	ssyncset.done @!p0 $0x0  }
0x1ef: {  	[sflag:s0] =	ssyncadd.s32 @!p0 s1  }
0x1f0: {  	[bflag:$0x3] =	sbarrier.arrive $0xFFFF  }
0x1f1: {  	_ =	shalt  }

</sc_bundles>
